<compile_context>
chip_gen: v7x
topology: tpu7x:2x2x1
jax: 0.10.2.dev20260603
libtpu: 0.0.44.dev20260713+nightly
codegen_flags: <defaults>
</compile_context>

<pallas_src>
import functools

import jax
import jax.numpy as jnp
from jax import lax
from jax.experimental import pallas as pl
from jax.experimental.pallas import tpu as pltpu
from jax.experimental.pallas import tpu_sc as plsc

N_NODES = 10000
N_EDGES = 320000
D_IN = 128
D_HID = 128
D_OUT = 64

NC = 2
NS = 16
NW = NC * NS
CHUNK = 128
C_CHUNKS = 80
HALF_CHUNKS = C_CHUNKS // 2
EROWS_PAD = NW * C_CHUNKS
E_PAD = EROWS_PAD * CHUNK
E_PAD = NW * C_CHUNKS * CHUNK
NACC = 10112
ROWS_PER_TILE = NACC // NS
R_TC = 2048


def _make_sc_segsum(D, with_deg, tc_tiling=True):
  mesh = plsc.VectorSubcoreMesh(
      core_axis_name="c", subcore_axis_name="s", num_cores=NC, num_subcores=NS)
  packed = D * NC == 128
  if packed:
    out_type = [jax.ShapeDtypeStruct((NACC, NC * D), jnp.float32)]
  else:
    out_type = [jax.ShapeDtypeStruct((NC * NACC, D), jnp.float32)]
  nbuf = 4 if D <= 64 else 2
  scratch = (
      [pltpu.VMEM((HALF_CHUNKS, CHUNK), jnp.int32)] * 2 +
      [pltpu.VMEM((CHUNK, D), jnp.float32)] * nbuf +
      [pltpu.VMEM_SHARED((NACC, D), jnp.float32)] +
      [pltpu.SemaphoreType.DMA] * nbuf)
  if with_deg:
    out_type.append(jax.ShapeDtypeStruct((NC * NACC,), jnp.float32))
    scratch += [
        pltpu.VMEM((CHUNK,), jnp.float32),
        pltpu.VMEM_SHARED((NACC,), jnp.float32),
        pltpu.SemaphoreType.DMA,
    ]

  def body(table, srci, dsti, zrows, zdeg, out_s, out_deg,
           src_v, dst_v, gbufs, acc, sems,
           ones_v=None, dacc=None, sem_d=None):
    c = lax.axis_index("c")
    s = lax.axis_index("s")
    wid = s * NC + c
    r0 = s * ROWS_PER_TILE
    base0 = wid * C_CHUNKS
    pltpu.sync_copy(srci.at[pl.ds(base0, HALF_CHUNKS)], src_v)
    pltpu.sync_copy(dsti.at[pl.ds(base0, HALF_CHUNKS)], dst_v)
    for b in range(nbuf):
      pltpu.async_copy(table.at[src_v.at[b]], gbufs[b], sems[b])
    pltpu.sync_copy(zrows.at[pl.ds(r0, ROWS_PER_TILE)],
                    acc.at[pl.ds(r0, ROWS_PER_TILE)])
    if with_deg:
      @pl.when(s == 0)
      def _():
        pltpu.sync_copy(zdeg, dacc)
      for i in range(CHUNK // 16):
        ones_v[pl.ds(i * 16, 16)] = jnp.ones((16,), jnp.float32)
    plsc.subcore_barrier()

    def scat(j, gbuf):
      if with_deg:
        pltpu.async_copy(ones_v, dacc.at[dst_v.at[j]], sem_d, add=True)
      pltpu.sync_copy(gbuf, acc.at[dst_v.at[j]], add=True)
      if with_deg:
        pltpu.make_async_copy(ones_v, dacc.at[dst_v.at[j]], sem_d).wait()

    for h in range(2):
      if h:
        base = wid * C_CHUNKS + h * HALF_CHUNKS
        pltpu.sync_copy(srci.at[pl.ds(base, HALF_CHUNKS)], src_v)
        pltpu.sync_copy(dsti.at[pl.ds(base, HALF_CHUNKS)], dst_v)
        for b in range(nbuf):
          pltpu.async_copy(table.at[src_v.at[b]], gbufs[b], sems[b])

      def handle(j, gbuf, sem):
        pltpu.make_async_copy(table.at[src_v.at[j]], gbuf, sem).wait()
        scat(j, gbuf)
        @pl.when(j + nbuf < HALF_CHUNKS)
        def _():
          pltpu.async_copy(table.at[src_v.at[j + nbuf]], gbuf, sem)

      def group_body(g, carry):
        for b in range(nbuf):
          handle(nbuf * g + b, gbufs[b], sems[b])
        return carry

      lax.fori_loop(0, HALF_CHUNKS // nbuf, group_body, 0)
      for j in range(HALF_CHUNKS - HALF_CHUNKS % nbuf, HALF_CHUNKS):
        handle(j, gbufs[j % nbuf], sems[j % nbuf])
    plsc.subcore_barrier()

    if packed:
      pltpu.sync_copy(acc.at[pl.ds(r0, ROWS_PER_TILE)],
                      out_s.at[pl.ds(r0, ROWS_PER_TILE), pl.ds(c * D, D)])
    else:
      pltpu.sync_copy(acc.at[pl.ds(r0, ROWS_PER_TILE)],
                      out_s.at[pl.ds(c * NACC + r0, ROWS_PER_TILE)])
    if with_deg:
      @pl.when(s == 0)
      def _():
        pltpu.sync_copy(dacc, out_deg.at[pl.ds(c * NACC, NACC)])

  params = None if tc_tiling else pltpu.CompilerParams(
      use_tc_tiling_on_sc=False)
  if with_deg:
    def body_wd(table, srci, dsti, zrows, zdeg, out_s, out_deg, *scr):
      body(table, srci, dsti, zrows, zdeg, out_s, out_deg,
           scr[0], scr[1], list(scr[2:2 + nbuf]), scr[2 + nbuf],
           list(scr[3 + nbuf:3 + 2 * nbuf]), scr[-3], scr[-2], scr[-1])
    fn = pl.kernel(body_wd, out_type=out_type, mesh=mesh,
                   scratch_types=scratch, compiler_params=params)
    return lambda table, srci, dsti, zrows, zdeg: fn(
        table, srci, dsti, zrows, zdeg)
  else:
    def body_nd(table, srci, dsti, zrows, out_s, *scr):
      body(table, srci, dsti, zrows, None, out_s, None,
           scr[0], scr[1], list(scr[2:2 + nbuf]), scr[2 + nbuf],
           list(scr[3 + nbuf:3 + 2 * nbuf]))
    fn = pl.kernel(body_nd, out_type=out_type, mesh=mesh,
                   scratch_types=scratch, compiler_params=params)
    return lambda table, srci, dsti, zrows: fn(table, srci, dsti, zrows)


def _tc0_body(x_ref, ws1_ref, b1_ref, xs1_ref):
  xs1_ref[...] = (jnp.dot(x_ref[...], ws1_ref[...],
                          preferred_element_type=jnp.float32) + b1_ref[...])


def _tc1_body(xs1_ref, s1_ref, deg2_ref, wn1_ref, wn2_ref,
              h1_ref, p2_ref):
  inv = 1.0 / jnp.maximum(deg2_ref[0:1, :] + deg2_ref[1:2, :], 1.0)
  inv_col = inv.reshape(R_TC, 1)
  t = jnp.dot(s1_ref[0] + s1_ref[1], wn1_ref[...],
              preferred_element_type=jnp.float32)
  h1 = jnp.maximum(xs1_ref[...] + t * inv_col, 0.0)
  h1_ref[...] = h1
  p2_ref[...] = jnp.dot(h1, wn2_ref[...], preferred_element_type=jnp.float32)


def _tcmid_body(h1_ref, ws2_ref, b2_ref, hs2_ref):
  hs2_ref[...] = (jnp.dot(h1_ref[...], ws2_ref[...],
                          preferred_element_type=jnp.float32) + b2_ref[...])


def _tc2_body(hs2_ref, s2p_ref, deg2_ref, out_ref):
  deg = jnp.maximum(deg2_ref[0:1, :] + deg2_ref[1:2, :], 1.0)
  s2t = s2p_ref[...].T
  hs2t = hs2_ref[...].T
  out_ref[...] = hs2t + (s2t[:D_OUT] + s2t[D_OUT:]) / deg


def _tc0(x, Ws1, b1, interpret=False):
  grid = (pl.cdiv(N_NODES, R_TC),)
  return pl.pallas_call(
      _tc0_body,
      grid=grid,
      in_specs=[
          pl.BlockSpec((R_TC, D_IN), lambda i: (i, 0)),
          pl.BlockSpec((D_IN, D_HID), lambda i: (0, 0)),
          pl.BlockSpec((1, D_HID), lambda i: (0, 0)),
      ],
      out_specs=pl.BlockSpec((R_TC, D_HID), lambda i: (i, 0)),
      out_shape=jax.ShapeDtypeStruct((N_NODES, D_HID), jnp.float32),
      interpret=interpret,
  )(x, Ws1, b1)


def _tc1(xs1, s1, deg2, Wn1, Wn2, interpret=False):
  grid = (pl.cdiv(N_NODES, R_TC),)
  return pl.pallas_call(
      _tc1_body,
      grid=grid,
      in_specs=[
          pl.BlockSpec((R_TC, D_HID), lambda i: (i, 0)),
          pl.BlockSpec((NC, R_TC, D_HID), lambda i: (0, i, 0)),
          pl.BlockSpec((NC, R_TC), lambda i: (0, i)),
          pl.BlockSpec((D_IN, D_HID), lambda i: (0, 0)),
          pl.BlockSpec((D_HID, D_OUT), lambda i: (0, 0)),
      ],
      out_specs=[
          pl.BlockSpec((R_TC, D_HID), lambda i: (i, 0)),
          pl.BlockSpec((R_TC, D_OUT), lambda i: (i, 0)),
      ],
      out_shape=[
          jax.ShapeDtypeStruct((N_NODES, D_HID), jnp.float32),
          jax.ShapeDtypeStruct((N_NODES, D_OUT), jnp.float32),
      ],
      interpret=interpret,
  )(xs1, s1, deg2, Wn1, Wn2)


def _tcmid(h1, Ws2, b2, interpret=False):
  grid = (pl.cdiv(N_NODES, R_TC),)
  return pl.pallas_call(
      _tcmid_body,
      grid=grid,
      in_specs=[
          pl.BlockSpec((R_TC, D_HID), lambda i: (i, 0)),
          pl.BlockSpec((D_HID, D_OUT), lambda i: (0, 0)),
          pl.BlockSpec((1, D_OUT), lambda i: (0, 0)),
      ],
      out_specs=pl.BlockSpec((R_TC, D_OUT), lambda i: (i, 0)),
      out_shape=jax.ShapeDtypeStruct((N_NODES, D_OUT), jnp.float32),
      interpret=interpret,
  )(h1, Ws2, b2)


def _tc2(hs2, s2p, deg2, interpret=False):
  grid = (pl.cdiv(N_NODES, R_TC),)
  return pl.pallas_call(
      _tc2_body,
      grid=grid,
      in_specs=[
          pl.BlockSpec((R_TC, D_OUT), lambda i: (i, 0)),
          pl.BlockSpec((R_TC, NC * D_OUT), lambda i: (i, 0)),
          pl.BlockSpec((NC, R_TC), lambda i: (0, i)),
      ],
      out_specs=pl.BlockSpec((D_OUT, R_TC), lambda i: (0, i)),
      out_shape=jax.ShapeDtypeStruct((D_OUT, N_NODES), jnp.float32),
      interpret=interpret,
  )(hs2, s2p, deg2)


_make_sc_segsum = functools.lru_cache(maxsize=None)(_make_sc_segsum)


def kernel(x, edge_index, Ws1, Wn1, b1, Ws2, Wn2, b2):
  npad = E_PAD - N_EDGES
  ar = jnp.arange(npad, dtype=jnp.int32)
  pad_src = (ar * 37) % N_NODES
  pad_dst = N_NODES + ar % (NACC - N_NODES)
  src_p = jnp.concatenate(
      [edge_index[0].astype(jnp.int32), pad_src]).reshape(EROWS_PAD, CHUNK)
  dst_p = jnp.concatenate(
      [edge_index[1].astype(jnp.int32), pad_dst]).reshape(EROWS_PAD, CHUNK)

  z1 = jnp.zeros((NACC, D_HID), jnp.float32)
  zd = jnp.zeros((NACC,), jnp.float32)
  s1_flat, deg_flat = _make_sc_segsum(D_HID, True)(x, src_p, dst_p, z1, zd)
  s1 = s1_flat.reshape(NC, NACC, D_HID)
  deg2 = deg_flat.reshape(NC, NACC)

  xs1 = _tc0(x, Ws1, b1.reshape(1, D_HID))
  h1, p2 = _tc1(xs1, s1, deg2, Wn1, Wn2)

  z2 = jnp.zeros((NACC, D_OUT), jnp.float32)
  s2p = _make_sc_segsum(D_OUT, False, tc_tiling=False)(
      p2, src_p, dst_p, z2)[0]

  hs2 = _tcmid(h1, Ws2, b2.reshape(1, D_OUT))
  return _tc2(hs2, s2p, deg2).T

# --- scband reference (transcript-rebuilt; emitter-appended) ---
"""Pipeline reference for scband-sage-73993696576014 (READ-ONLY COPY).

The authoritative reference and input builder live on the scoring server;
editing this copy changes nothing except your own understanding.
"""

import jax, jax.numpy as jnp
import numpy as np

N_NODES = 10000
N_EDGES = 320000
IN_FEATS = 128
N_HIDDEN = 128
N_CLASSES = 64


def setup_inputs(seed: int = 0) -> dict:
    key = jax.random.key(seed)
    ks = jax.random.split(key, 8)
    x = jax.random.normal(ks[0], (N_NODES, IN_FEATS), dtype=jnp.float32)
    edge_index = jax.random.randint(ks[1], (2, N_EDGES), 0, N_NODES, dtype=jnp.int64)
    s1 = (2.0 / (IN_FEATS + N_HIDDEN)) ** 0.5
    s2 = (2.0 / (N_HIDDEN + N_CLASSES)) ** 0.5
    Ws1 = jax.random.normal(ks[2], (IN_FEATS, N_HIDDEN), dtype=jnp.float32) * s1
    Wn1 = jax.random.normal(ks[3], (IN_FEATS, N_HIDDEN), dtype=jnp.float32) * s1
    b1 = jnp.zeros((N_HIDDEN,), dtype=jnp.float32)
    Ws2 = jax.random.normal(ks[4], (N_HIDDEN, N_CLASSES), dtype=jnp.float32) * s2
    Wn2 = jax.random.normal(ks[5], (N_HIDDEN, N_CLASSES), dtype=jnp.float32) * s2
    b2 = jnp.zeros((N_CLASSES,), dtype=jnp.float32)
    return {"x": x, "edge_index": edge_index, "Ws1": Ws1, "Wn1": Wn1, "b1": b1,
            "Ws2": Ws2, "Wn2": Wn2, "b2": b2}


def _sage_conv_mean(h, src, dst, Ws, Wn, b, n_nodes):
    # DGL SAGEConv with 'mean' aggregator: rst = fc_self(h) + fc_neigh(mean_{u->v} h_u)
    msg = jnp.take(h, src, axis=0)                                      # gather [E, d]
    agg = jax.ops.segment_sum(msg, dst, num_segments=n_nodes)           # scatter-add [N, d]
    deg = jax.ops.segment_sum(jnp.ones((src.shape[0],), dtype=h.dtype), dst, num_segments=n_nodes)
    h_neigh = agg / jnp.maximum(deg, 1.0)[:, None]
    return h @ Ws + h_neigh @ Wn + b


def reference(x, edge_index, Ws1, Wn1, b1, Ws2, Wn2, b2):
    src = edge_index[0]
    dst = edge_index[1]
    h = _sage_conv_mean(x, src, dst, Ws1, Wn1, b1, N_NODES)
    h = jax.nn.relu(h)  # dropout p=0.0 is identity
    h = _sage_conv_mean(h, src, dst, Ws2, Wn2, b2, N_NODES)
    return h

if __name__ == "__main__":
    import jax
    _d = setup_inputs()
    print(jax.jit(kernel)(*tuple(_d.values())))

</pallas_src>

<mosaic_0001>
#map = affine_map<(d0, d1) -> (0, 0)>
#map1 = affine_map<(d0, d1) -> (0)>
module attributes {stable_mosaic.version = 14 : i64} {
  func.func @body_wd(%arg0: i32, %arg1: i32, %arg2: memref<10000x128xf32, #tpu.memory_space<hbm>>, %arg3: memref<2560x128xi32, #tpu.memory_space<hbm>>, %arg4: memref<2560x128xi32, #tpu.memory_space<hbm>>, %arg5: memref<10112x128xf32, #tpu.memory_space<hbm>>, %arg6: memref<10112xf32, #tpu.memory_space<hbm>>, %arg7: memref<20224x128xf32, #tpu.memory_space<hbm>>, %arg8: memref<20224xf32, #tpu.memory_space<hbm>>, %arg9: memref<40x128xi32, #tpu.memory_space<vmem>>, %arg10: memref<40x128xi32, #tpu.memory_space<vmem>>, %arg11: memref<128x128xf32, #tpu.memory_space<vmem>>, %arg12: memref<128x128xf32, #tpu.memory_space<vmem>>, %arg13: memref<10112x128xf32, #tpu.memory_space<vmem_shared>>, %arg14: memref<!tpu.dma_semaphore, #tpu.memory_space<semaphore_mem>>, %arg15: memref<!tpu.dma_semaphore, #tpu.memory_space<semaphore_mem>>, %arg16: memref<128xf32, #tpu.memory_space<vmem>>, %arg17: memref<10112xf32, #tpu.memory_space<vmem_shared>>, %arg18: memref<!tpu.dma_semaphore, #tpu.memory_space<semaphore_mem>>) attributes {dimension_semantics = [#tpu.dimension_semantics<core_parallel>, #tpu.dimension_semantics<subcore_parallel>], iteration_bounds = array<i64: 2, 16>, scalar_prefetch = 0 : i64, scratch_operands = 10 : i64, tpu.core_type = #tpu.core_type<sc_vector_subcore>, window_params = [{transform_indices = #map}, {transform_indices = #map}, {transform_indices = #map}, {transform_indices = #map}, {transform_indices = #map1}, {transform_indices = #map}, {transform_indices = #map1}]} {
    %mul3A = arith.constant 2 : i32
    %mul3A_0 = arith.muli %arg1, %mul3A : i32
    %add3A = arith.addi %mul3A_0, %arg0 : i32
    %mul3A_1 = arith.constant 632 : i32
    %mul3A_2 = arith.muli %arg1, %mul3A_1 : i32
    %mul3A_3 = arith.constant 80 : i32
    %mul3A_4 = arith.muli %add3A, %mul3A_3 : i32
    "tpu.region"() ({
      %run_scoped3A = tpu.sem_alloc : memref<!tpu.dma_semaphore, #tpu.memory_space<semaphore_mem>>
      %dma_start3A_104 = arith.constant 0 : i32
      %dma_start3A_105 = tpu.memref_slice %arg3[%mul3A_4, %dma_start3A_104] : memref<2560x128xi32, #tpu.memory_space<hbm>> -> memref<40x128xi32, #tpu.memory_space<hbm>>
      %dma_start3A_106 = arith.constant 0 : i32
      %dma_start3A_107 = tpu.memref_slice %arg3[%mul3A_4, %dma_start3A_106] : memref<2560x128xi32, #tpu.memory_space<hbm>> -> memref<40x128xi32, #tpu.memory_space<hbm>>
      tpu.enqueue_dma source(%dma_start3A_107 : memref<40x128xi32, #tpu.memory_space<hbm>>) target(%arg9 : memref<40x128xi32, #tpu.memory_space<vmem>>) target_semaphore(%run_scoped3A : memref<!tpu.dma_semaphore, #tpu.memory_space<semaphore_mem>>)
      %dma_wait3A = arith.constant 0 : i32
      %dma_wait3A_108 = tpu.memref_slice %arg3[%mul3A_4, %dma_wait3A] : memref<2560x128xi32, #tpu.memory_space<hbm>> -> memref<40x128xi32, #tpu.memory_space<hbm>>
      %dma_wait3A_109 = arith.constant 0 : i32
      %dma_wait3A_110 = tpu.memref_slice %arg3[%mul3A_4, %dma_wait3A_109] : memref<2560x128xi32, #tpu.memory_space<hbm>> -> memref<40x128xi32, #tpu.memory_space<hbm>>
      tpu.wait_dma2 semaphore(%run_scoped3A : memref<!tpu.dma_semaphore, #tpu.memory_space<semaphore_mem>>) src(%dma_wait3A_110 : memref<40x128xi32, #tpu.memory_space<hbm>>) dst(%arg9 : memref<40x128xi32, #tpu.memory_space<vmem>>)
      tpu.yield
    }) : () -> ()
    "tpu.region"() ({
      %run_scoped3A = tpu.sem_alloc : memref<!tpu.dma_semaphore, #tpu.memory_space<semaphore_mem>>
      %dma_start3A_104 = arith.constant 0 : i32
      %dma_start3A_105 = tpu.memref_slice %arg4[%mul3A_4, %dma_start3A_104] : memref<2560x128xi32, #tpu.memory_space<hbm>> -> memref<40x128xi32, #tpu.memory_space<hbm>>
      %dma_start3A_106 = arith.constant 0 : i32
      %dma_start3A_107 = tpu.memref_slice %arg4[%mul3A_4, %dma_start3A_106] : memref<2560x128xi32, #tpu.memory_space<hbm>> -> memref<40x128xi32, #tpu.memory_space<hbm>>
      tpu.enqueue_dma source(%dma_start3A_107 : memref<40x128xi32, #tpu.memory_space<hbm>>) target(%arg10 : memref<40x128xi32, #tpu.memory_space<vmem>>) target_semaphore(%run_scoped3A : memref<!tpu.dma_semaphore, #tpu.memory_space<semaphore_mem>>)
      %dma_wait3A = arith.constant 0 : i32
      %dma_wait3A_108 = tpu.memref_slice %arg4[%mul3A_4, %dma_wait3A] : memref<2560x128xi32, #tpu.memory_space<hbm>> -> memref<40x128xi32, #tpu.memory_space<hbm>>
      %dma_wait3A_109 = arith.constant 0 : i32
      %dma_wait3A_110 = tpu.memref_slice %arg4[%mul3A_4, %dma_wait3A_109] : memref<2560x128xi32, #tpu.memory_space<hbm>> -> memref<40x128xi32, #tpu.memory_space<hbm>>
      tpu.wait_dma2 semaphore(%run_scoped3A : memref<!tpu.dma_semaphore, #tpu.memory_space<semaphore_mem>>) src(%dma_wait3A_110 : memref<40x128xi32, #tpu.memory_space<hbm>>) dst(%arg10 : memref<40x128xi32, #tpu.memory_space<vmem>>)
      tpu.yield
    }) : () -> ()
    %dma_start3A = arith.constant 0 : i32
    %dma_start3A_5 = arith.constant 0 : i32
    %dma_start3A_6 = tpu.memref_slice %arg9[%dma_start3A, %dma_start3A_5] : memref<40x128xi32, #tpu.memory_space<vmem>> -> memref<1x128xi32, #tpu.memory_space<vmem>>
    %dma_start3A_7 = tpu.memref_squeeze %dma_start3A_6 : memref<1x128xi32, #tpu.memory_space<vmem>> -> memref<128xi32, #tpu.memory_space<vmem>>
    %dma_start3A_8 = arith.constant 0 : i32
    %dma_start3A_9 = arith.constant 0 : i32
    %dma_start3A_10 = tpu.memref_slice %arg2[%dma_start3A_8, %dma_start3A_9] : memref<10000x128xf32, #tpu.memory_space<hbm>> -> memref<10000x128xf32, #tpu.memory_space<hbm>>
    tpu.enqueue_indirect_dma source(%dma_start3A_10 : memref<10000x128xf32, #tpu.memory_space<hbm>>) target(%arg11 : memref<128x128xf32, #tpu.memory_space<vmem>>) offsets(%dma_start3A_7 : memref<128xi32, #tpu.memory_space<vmem>>) semaphore(%arg14 : memref<!tpu.dma_semaphore, #tpu.memory_space<semaphore_mem>>)
    %dma_start3A_11 = arith.constant 1 : i32
    %dma_start3A_12 = arith.constant 0 : i32
    %dma_start3A_13 = tpu.memref_slice %arg9[%dma_start3A_11, %dma_start3A_12] : memref<40x128xi32, #tpu.memory_space<vmem>> -> memref<1x128xi32, #tpu.memory_space<vmem>>
    %dma_start3A_14 = tpu.memref_squeeze %dma_start3A_13 : memref<1x128xi32, #tpu.memory_space<vmem>> -> memref<128xi32, #tpu.memory_space<vmem>>
    %dma_start3A_15 = arith.constant 0 : i32
    %dma_start3A_16 = arith.constant 0 : i32
    %dma_start3A_17 = tpu.memref_slice %arg2[%dma_start3A_15, %dma_start3A_16] : memref<10000x128xf32, #tpu.memory_space<hbm>> -> memref<10000x128xf32, #tpu.memory_space<hbm>>
    tpu.enqueue_indirect_dma source(%dma_start3A_17 : memref<10000x128xf32, #tpu.memory_space<hbm>>) target(%arg12 : memref<128x128xf32, #tpu.memory_space<vmem>>) offsets(%dma_start3A_14 : memref<128xi32, #tpu.memory_space<vmem>>) semaphore(%arg15 : memref<!tpu.dma_semaphore, #tpu.memory_space<semaphore_mem>>)
    "tpu.region"() ({
      %run_scoped3A = tpu.sem_alloc : memref<!tpu.dma_semaphore, #tpu.memory_space<semaphore_mem>>
      %dma_start3A_104 = arith.constant 0 : i32
      %dma_start3A_105 = tpu.memref_slice %arg13[%mul3A_2, %dma_start3A_104] : memref<10112x128xf32, #tpu.memory_space<vmem_shared>> -> memref<632x128xf32, #tpu.memory_space<vmem_shared>>
      %dma_start3A_106 = arith.constant 0 : i32
      %dma_start3A_107 = tpu.memref_slice %arg5[%mul3A_2, %dma_start3A_106] : memref<10112x128xf32, #tpu.memory_space<hbm>> -> memref<632x128xf32, #tpu.memory_space<hbm>>
      tpu.enqueue_dma source(%dma_start3A_107 : memref<632x128xf32, #tpu.memory_space<hbm>>) target(%dma_start3A_105 : memref<632x128xf32, #tpu.memory_space<vmem_shared>>) target_semaphore(%run_scoped3A : memref<!tpu.dma_semaphore, #tpu.memory_space<semaphore_mem>>)
      %dma_wait3A = arith.constant 0 : i32
      %dma_wait3A_108 = tpu.memref_slice %arg13[%mul3A_2, %dma_wait3A] : memref<10112x128xf32, #tpu.memory_space<vmem_shared>> -> memref<632x128xf32, #tpu.memory_space<vmem_shared>>
      %dma_wait3A_109 = arith.constant 0 : i32
      %dma_wait3A_110 = tpu.memref_slice %arg5[%mul3A_2, %dma_wait3A_109] : memref<10112x128xf32, #tpu.memory_space<hbm>> -> memref<632x128xf32, #tpu.memory_space<hbm>>
      tpu.wait_dma2 semaphore(%run_scoped3A : memref<!tpu.dma_semaphore, #tpu.memory_space<semaphore_mem>>) src(%dma_wait3A_110 : memref<632x128xf32, #tpu.memory_space<hbm>>) dst(%dma_wait3A_108 : memref<632x128xf32, #tpu.memory_space<vmem_shared>>)
      tpu.yield
    }) : () -> ()
    %eq3A = arith.constant 0 : i32
    %eq3A_18 = arith.cmpi eq, %arg1, %eq3A : i32
    %convert_element_type3A = arith.extui %eq3A_18 : i1 to i32
    %cond3A = arith.constant 0 : i32
    %cond3A_19 = arith.cmpi ne, %convert_element_type3A, %cond3A : i32
    scf.if %cond3A_19 {
      "tpu.region"() ({
        %run_scoped3A = tpu.sem_alloc : memref<!tpu.dma_semaphore, #tpu.memory_space<semaphore_mem>>
        tpu.enqueue_dma source(%arg6 : memref<10112xf32, #tpu.memory_space<hbm>>) target(%arg17 : memref<10112xf32, #tpu.memory_space<vmem_shared>>) target_semaphore(%run_scoped3A : memref<!tpu.dma_semaphore, #tpu.memory_space<semaphore_mem>>)
        tpu.wait_dma2 semaphore(%run_scoped3A : memref<!tpu.dma_semaphore, #tpu.memory_space<semaphore_mem>>) src(%arg6 : memref<10112xf32, #tpu.memory_space<hbm>>) dst(%arg17 : memref<10112xf32, #tpu.memory_space<vmem_shared>>)
        tpu.yield
      }) : () -> ()
    } else {
    }
    %broadcast_in_dim3A = arith.constant 1.000000e+00 : f32
    %broadcast_in_dim3A_20 = vector.broadcast %broadcast_in_dim3A : f32 to vector<16xf32>
    %swap3A = arith.constant 0 : index
    %swap3A_21 = tpu.vector_load %arg16[%swap3A] {strides = array<i32>} : memref<128xf32, #tpu.memory_space<vmem>>, vector<16xf32>,
    %swap3A_22 = vector.shape_cast %swap3A_21 : vector<16xf32> to vector<16xf32>
    %swap3A_23 = vector.shape_cast %broadcast_in_dim3A_20 : vector<16xf32> to vector<16xf32>
    tpu.vector_store %arg16[%swap3A], %swap3A_23 {strides = array<i32>} : memref<128xf32, #tpu.memory_space<vmem>>, vector<16xf32>,
    %broadcast_in_dim3A_24 = arith.constant 1.000000e+00 : f32
    %broadcast_in_dim3A_25 = vector.broadcast %broadcast_in_dim3A_24 : f32 to vector<16xf32>
    %swap3A_26 = arith.constant 16 : index
    %swap3A_27 = tpu.vector_load %arg16[%swap3A_26] {strides = array<i32>} : memref<128xf32, #tpu.memory_space<vmem>>, vector<16xf32>,
    %swap3A_28 = vector.shape_cast %swap3A_27 : vector<16xf32> to vector<16xf32>
    %swap3A_29 = vector.shape_cast %broadcast_in_dim3A_25 : vector<16xf32> to vector<16xf32>
    tpu.vector_store %arg16[%swap3A_26], %swap3A_29 {strides = array<i32>} : memref<128xf32, #tpu.memory_space<vmem>>, vector<16xf32>,
    %broadcast_in_dim3A_30 = arith.constant 1.000000e+00 : f32
    %broadcast_in_dim3A_31 = vector.broadcast %broadcast_in_dim3A_30 : f32 to vector<16xf32>
    %swap3A_32 = arith.constant 32 : index
    %swap3A_33 = tpu.vector_load %arg16[%swap3A_32] {strides = array<i32>} : memref<128xf32, #tpu.memory_space<vmem>>, vector<16xf32>,
    %swap3A_34 = vector.shape_cast %swap3A_33 : vector<16xf32> to vector<16xf32>
    %swap3A_35 = vector.shape_cast %broadcast_in_dim3A_31 : vector<16xf32> to vector<16xf32>
    tpu.vector_store %arg16[%swap3A_32], %swap3A_35 {strides = array<i32>} : memref<128xf32, #tpu.memory_space<vmem>>, vector<16xf32>,
    %broadcast_in_dim3A_36 = arith.constant 1.000000e+00 : f32
    %broadcast_in_dim3A_37 = vector.broadcast %broadcast_in_dim3A_36 : f32 to vector<16xf32>
    %swap3A_38 = arith.constant 48 : index
    %swap3A_39 = tpu.vector_load %arg16[%swap3A_38] {strides = array<i32>} : memref<128xf32, #tpu.memory_space<vmem>>, vector<16xf32>,
    %swap3A_40 = vector.shape_cast %swap3A_39 : vector<16xf32> to vector<16xf32>
    %swap3A_41 = vector.shape_cast %broadcast_in_dim3A_37 : vector<16xf32> to vector<16xf32>
    tpu.vector_store %arg16[%swap3A_38], %swap3A_41 {strides = array<i32>} : memref<128xf32, #tpu.memory_space<vmem>>, vector<16xf32>,
    %broadcast_in_dim3A_42 = arith.constant 1.000000e+00 : f32
    %broadcast_in_dim3A_43 = vector.broadcast %broadcast_in_dim3A_42 : f32 to vector<16xf32>
    %swap3A_44 = arith.constant 64 : index
    %swap3A_45 = tpu.vector_load %arg16[%swap3A_44] {strides = array<i32>} : memref<128xf32, #tpu.memory_space<vmem>>, vector<16xf32>,
    %swap3A_46 = vector.shape_cast %swap3A_45 : vector<16xf32> to vector<16xf32>
    %swap3A_47 = vector.shape_cast %broadcast_in_dim3A_43 : vector<16xf32> to vector<16xf32>
    tpu.vector_store %arg16[%swap3A_44], %swap3A_47 {strides = array<i32>} : memref<128xf32, #tpu.memory_space<vmem>>, vector<16xf32>,
    %broadcast_in_dim3A_48 = arith.constant 1.000000e+00 : f32
    %broadcast_in_dim3A_49 = vector.broadcast %broadcast_in_dim3A_48 : f32 to vector<16xf32>
    %swap3A_50 = arith.constant 80 : index
    %swap3A_51 = tpu.vector_load %arg16[%swap3A_50] {strides = array<i32>} : memref<128xf32, #tpu.memory_space<vmem>>, vector<16xf32>,
    %swap3A_52 = vector.shape_cast %swap3A_51 : vector<16xf32> to vector<16xf32>
    %swap3A_53 = vector.shape_cast %broadcast_in_dim3A_49 : vector<16xf32> to vector<16xf32>
    tpu.vector_store %arg16[%swap3A_50], %swap3A_53 {strides = array<i32>} : memref<128xf32, #tpu.memory_space<vmem>>, vector<16xf32>,
    %broadcast_in_dim3A_54 = arith.constant 1.000000e+00 : f32
    %broadcast_in_dim3A_55 = vector.broadcast %broadcast_in_dim3A_54 : f32 to vector<16xf32>
    %swap3A_56 = arith.constant 96 : index
    %swap3A_57 = tpu.vector_load %arg16[%swap3A_56] {strides = array<i32>} : memref<128xf32, #tpu.memory_space<vmem>>, vector<16xf32>,
    %swap3A_58 = vector.shape_cast %swap3A_57 : vector<16xf32> to vector<16xf32>
    %swap3A_59 = vector.shape_cast %broadcast_in_dim3A_55 : vector<16xf32> to vector<16xf32>
    tpu.vector_store %arg16[%swap3A_56], %swap3A_59 {strides = array<i32>} : memref<128xf32, #tpu.memory_space<vmem>>, vector<16xf32>,
    %broadcast_in_dim3A_60 = arith.constant 1.000000e+00 : f32
    %broadcast_in_dim3A_61 = vector.broadcast %broadcast_in_dim3A_60 : f32 to vector<16xf32>
    %swap3A_62 = arith.constant 112 : index
    %swap3A_63 = tpu.vector_load %arg16[%swap3A_62] {strides = array<i32>} : memref<128xf32, #tpu.memory_space<vmem>>, vector<16xf32>,
    %swap3A_64 = vector.shape_cast %swap3A_63 : vector<16xf32> to vector<16xf32>
    %swap3A_65 = vector.shape_cast %broadcast_in_dim3A_61 : vector<16xf32> to vector<16xf32>
    tpu.vector_store %arg16[%swap3A_62], %swap3A_65 {strides = array<i32>} : memref<128xf32, #tpu.memory_space<vmem>>, vector<16xf32>,
    %barrier3A = arith.constant 0 : index
    tpu.barrier barrier_id(%barrier3A)
    %scan3A = arith.constant 0 : i32
    %scan3A_66 = arith.constant 0 : i32
    %scan3A_67 = arith.constant 20 : i32
    %scan3A_68 = arith.addi %scan3A_66, %scan3A_67 : i32
    %scan3A_69 = arith.constant 1 : i32
    scf.for %scan3A_104 = %scan3A_66 to %scan3A_68 step %scan3A_69  : i32 {
      %mul3A_105 = arith.constant 2 : i32
      %mul3A_106 = arith.muli %mul3A_105, %scan3A_104 : i32
      %add3A_107 = arith.constant 0 : i32
      %add3A_108 = arith.addi %mul3A_106, %add3A_107 : i32
      %dma_wait3A = arith.constant 0 : i32
      %dma_wait3A_109 = tpu.memref_slice %arg9[%add3A_108, %dma_wait3A] : memref<40x128xi32, #tpu.memory_space<vmem>> -> memref<1x128xi32, #tpu.memory_space<vmem>>
      %dma_wait3A_110 = tpu.memref_squeeze %dma_wait3A_109 : memref<1x128xi32, #tpu.memory_space<vmem>> -> memref<128xi32, #tpu.memory_space<vmem>>
      %dma_wait3A_111 = arith.constant 0 : i32
      %dma_wait3A_112 = arith.constant 0 : i32
      %dma_wait3A_113 = tpu.memref_slice %arg2[%dma_wait3A_111, %dma_wait3A_112] : memref<10000x128xf32, #tpu.memory_space<hbm>> -> memref<10000x128xf32, #tpu.memory_space<hbm>>
      tpu.wait_indirect_dma semaphore(%arg14 : memref<!tpu.dma_semaphore, #tpu.memory_space<semaphore_mem>>) src(%dma_wait3A_113 : memref<10000x128xf32, #tpu.memory_space<hbm>>) dst(%arg11 : memref<128x128xf32, #tpu.memory_space<vmem>>)
      %dma_start3A_114 = arith.constant 0 : i32
      %dma_start3A_115 = tpu.memref_slice %arg10[%add3A_108, %dma_start3A_114] : memref<40x128xi32, #tpu.memory_space<vmem>> -> memref<1x128xi32, #tpu.memory_space<vmem>>
      %dma_start3A_116 = tpu.memref_squeeze %dma_start3A_115 : memref<1x128xi32, #tpu.memory_space<vmem>> -> memref<128xi32, #tpu.memory_space<vmem>>
      %dma_start3A_117 = arith.constant 0 : i32
      %dma_start3A_118 = tpu.memref_slice %arg17[%dma_start3A_117] : memref<10112xf32, #tpu.memory_space<vmem_shared>> -> memref<10112xf32, #tpu.memory_space<vmem_shared>>
      tpu.enqueue_indirect_dma source(%arg16 : memref<128xf32, #tpu.memory_space<vmem>>) target(%dma_start3A_118 : memref<10112xf32, #tpu.memory_space<vmem_shared>>) offsets(%dma_start3A_116 : memref<128xi32, #tpu.memory_space<vmem>>) semaphore(%arg18 : memref<!tpu.dma_semaphore, #tpu.memory_space<semaphore_mem>>) {add = true}
      "tpu.region"() ({
        %run_scoped3A = tpu.sem_alloc : memref<!tpu.dma_semaphore, #tpu.memory_space<semaphore_mem>>
        %dma_start3A_157 = arith.constant 0 : i32
        %dma_start3A_158 = tpu.memref_slice %arg10[%add3A_108, %dma_start3A_157] : memref<40x128xi32, #tpu.memory_space<vmem>> -> memref<1x128xi32, #tpu.memory_space<vmem>>
        %dma_start3A_159 = tpu.memref_squeeze %dma_start3A_158 : memref<1x128xi32, #tpu.memory_space<vmem>> -> memref<128xi32, #tpu.memory_space<vmem>>
        %dma_start3A_160 = arith.constant 0 : i32
        %dma_start3A_161 = arith.constant 0 : i32
        %dma_start3A_162 = tpu.memref_slice %arg13[%dma_start3A_160, %dma_start3A_161] : memref<10112x128xf32, #tpu.memory_space<vmem_shared>> -> memref<10112x128xf32, #tpu.memory_space<vmem_shared>>
        tpu.enqueue_indirect_dma source(%arg11 : memref<128x128xf32, #tpu.memory_space<vmem>>) target(%dma_start3A_162 : memref<10112x128xf32, #tpu.memory_space<vmem_shared>>) offsets(%dma_start3A_159 : memref<128xi32, #tpu.memory_space<vmem>>) semaphore(%run_scoped3A : memref<!tpu.dma_semaphore, #tpu.memory_space<semaphore_mem>>) {add = true}
        %dma_wait3A_163 = arith.constant 0 : i32
        %dma_wait3A_164 = tpu.memref_slice %arg10[%add3A_108, %dma_wait3A_163] : memref<40x128xi32, #tpu.memory_space<vmem>> -> memref<1x128xi32, #tpu.memory_space<vmem>>
        %dma_wait3A_165 = tpu.memref_squeeze %dma_wait3A_164 : memref<1x128xi32, #tpu.memory_space<vmem>> -> memref<128xi32, #tpu.memory_space<vmem>>
        %dma_wait3A_166 = arith.constant 0 : i32
        %dma_wait3A_167 = arith.constant 0 : i32
        %dma_wait3A_168 = tpu.memref_slice %arg13[%dma_wait3A_166, %dma_wait3A_167] : memref<10112x128xf32, #tpu.memory_space<vmem_shared>> -> memref<10112x128xf32, #tpu.memory_space<vmem_shared>>
        tpu.wait_indirect_dma semaphore(%run_scoped3A : memref<!tpu.dma_semaphore, #tpu.memory_space<semaphore_mem>>) src(%arg11 : memref<128x128xf32, #tpu.memory_space<vmem>>) dst(%dma_wait3A_168 : memref<10112x128xf32, #tpu.memory_space<vmem_shared>>)
        tpu.yield
      }) : () -> ()
      %dma_wait3A_119 = arith.constant 0 : i32
      %dma_wait3A_120 = tpu.memref_slice %arg10[%add3A_108, %dma_wait3A_119] : memref<40x128xi32, #tpu.memory_space<vmem>> -> memref<1x128xi32, #tpu.memory_space<vmem>>
      %dma_wait3A_121 = tpu.memref_squeeze %dma_wait3A_120 : memref<1x128xi32, #tpu.memory_space<vmem>> -> memref<128xi32, #tpu.memory_space<vmem>>
      %dma_wait3A_122 = arith.constant 0 : i32
      %dma_wait3A_123 = tpu.memref_slice %arg17[%dma_wait3A_122] : memref<10112xf32, #tpu.memory_space<vmem_shared>> -> memref<10112xf32, #tpu.memory_space<vmem_shared>>
      tpu.wait_indirect_dma semaphore(%arg18 : memref<!tpu.dma_semaphore, #tpu.memory_space<semaphore_mem>>) src(%arg16 : memref<128xf32, #tpu.memory_space<vmem>>) dst(%dma_wait3A_123 : memref<10112xf32, #tpu.memory_space<vmem_shared>>)
      %add3A_124 = arith.constant 2 : i32
      %add3A_125 = arith.addi %add3A_108, %add3A_124 : i32
      %lt3A = arith.constant 40 : i32
      %lt3A_126 = arith.cmpi slt, %add3A_125, %lt3A : i32
      %convert_element_type3A_127 = arith.extui %lt3A_126 : i1 to i32
      %cond3A_128 = arith.constant 0 : i32
      %cond3A_129 = arith.cmpi ne, %convert_element_type3A_127, %cond3A_128 : i32
      scf.if %cond3A_129 {
        %add3A_157 = arith.constant 2 : i32
        %add3A_158 = arith.addi %add3A_108, %add3A_157 : i32
        %dma_start3A_159 = arith.constant 0 : i32
        %dma_start3A_160 = tpu.memref_slice %arg9[%add3A_158, %dma_start3A_159] : memref<40x128xi32, #tpu.memory_space<vmem>> -> memref<1x128xi32, #tpu.memory_space<vmem>>
        %dma_start3A_161 = tpu.memref_squeeze %dma_start3A_160 : memref<1x128xi32, #tpu.memory_space<vmem>> -> memref<128xi32, #tpu.memory_space<vmem>>
        %dma_start3A_162 = arith.constant 0 : i32
        %dma_start3A_163 = arith.constant 0 : i32
        %dma_start3A_164 = tpu.memref_slice %arg2[%dma_start3A_162, %dma_start3A_163] : memref<10000x128xf32, #tpu.memory_space<hbm>> -> memref<10000x128xf32, #tpu.memory_space<hbm>>
        tpu.enqueue_indirect_dma source(%dma_start3A_164 : memref<10000x128xf32, #tpu.memory_space<hbm>>) target(%arg11 : memref<128x128xf32, #tpu.memory_space<vmem>>) offsets(%dma_start3A_161 : memref<128xi32, #tpu.memory_space<vmem>>) semaphore(%arg14 : memref<!tpu.dma_semaphore, #tpu.memory_space<semaphore_mem>>)
      } else {
      }
      %mul3A_130 = arith.constant 2 : i32
      %mul3A_131 = arith.muli %mul3A_130, %scan3A_104 : i32
      %add3A_132 = arith.constant 1 : i32
      %add3A_133 = arith.addi %mul3A_131, %add3A_132 : i32
      %dma_wait3A_134 = arith.constant 0 : i32
      %dma_wait3A_135 = tpu.memref_slice %arg9[%add3A_133, %dma_wait3A_134] : memref<40x128xi32, #tpu.memory_space<vmem>> -> memref<1x128xi32, #tpu.memory_space<vmem>>
      %dma_wait3A_136 = tpu.memref_squeeze %dma_wait3A_135 : memref<1x128xi32, #tpu.memory_space<vmem>> -> memref<128xi32, #tpu.memory_space<vmem>>
      %dma_wait3A_137 = arith.constant 0 : i32
      %dma_wait3A_138 = arith.constant 0 : i32
      %dma_wait3A_139 = tpu.memref_slice %arg2[%dma_wait3A_137, %dma_wait3A_138] : memref<10000x128xf32, #tpu.memory_space<hbm>> -> memref<10000x128xf32, #tpu.memory_space<hbm>>
      tpu.wait_indirect_dma semaphore(%arg15 : memref<!tpu.dma_semaphore, #tpu.memory_space<semaphore_mem>>) src(%dma_wait3A_139 : memref<10000x128xf32, #tpu.memory_space<hbm>>) dst(%arg12 : memref<128x128xf32, #tpu.memory_space<vmem>>)
      %dma_start3A_140 = arith.constant 0 : i32
      %dma_start3A_141 = tpu.memref_slice %arg10[%add3A_133, %dma_start3A_140] : memref<40x128xi32, #tpu.memory_space<vmem>> -> memref<1x128xi32, #tpu.memory_space<vmem>>
      %dma_start3A_142 = tpu.memref_squeeze %dma_start3A_141 : memref<1x128xi32, #tpu.memory_space<vmem>> -> memref<128xi32, #tpu.memory_space<vmem>>
      %dma_start3A_143 = arith.constant 0 : i32
      %dma_start3A_144 = tpu.memref_slice %arg17[%dma_start3A_143] : memref<10112xf32, #tpu.memory_space<vmem_shared>> -> memref<10112xf32, #tpu.memory_space<vmem_shared>>
      tpu.enqueue_indirect_dma source(%arg16 : memref<128xf32, #tpu.memory_space<vmem>>) target(%dma_start3A_144 : memref<10112xf32, #tpu.memory_space<vmem_shared>>) offsets(%dma_start3A_142 : memref<128xi32, #tpu.memory_space<vmem>>) semaphore(%arg18 : memref<!tpu.dma_semaphore, #tpu.memory_space<semaphore_mem>>) {add = true}
      "tpu.region"() ({
        %run_scoped3A = tpu.sem_alloc : memref<!tpu.dma_semaphore, #tpu.memory_space<semaphore_mem>>
        %dma_start3A_157 = arith.constant 0 : i32
        %dma_start3A_158 = tpu.memref_slice %arg10[%add3A_133, %dma_start3A_157] : memref<40x128xi32, #tpu.memory_space<vmem>> -> memref<1x128xi32, #tpu.memory_space<vmem>>
        %dma_start3A_159 = tpu.memref_squeeze %dma_start3A_158 : memref<1x128xi32, #tpu.memory_space<vmem>> -> memref<128xi32, #tpu.memory_space<vmem>>
        %dma_start3A_160 = arith.constant 0 : i32
        %dma_start3A_161 = arith.constant 0 : i32
        %dma_start3A_162 = tpu.memref_slice %arg13[%dma_start3A_160, %dma_start3A_161] : memref<10112x128xf32, #tpu.memory_space<vmem_shared>> -> memref<10112x128xf32, #tpu.memory_space<vmem_shared>>
        tpu.enqueue_indirect_dma source(%arg12 : memref<128x128xf32, #tpu.memory_space<vmem>>) target(%dma_start3A_162 : memref<10112x128xf32, #tpu.memory_space<vmem_shared>>) offsets(%dma_start3A_159 : memref<128xi32, #tpu.memory_space<vmem>>) semaphore(%run_scoped3A : memref<!tpu.dma_semaphore, #tpu.memory_space<semaphore_mem>>) {add = true}
        %dma_wait3A_163 = arith.constant 0 : i32
        %dma_wait3A_164 = tpu.memref_slice %arg10[%add3A_133, %dma_wait3A_163] : memref<40x128xi32, #tpu.memory_space<vmem>> -> memref<1x128xi32, #tpu.memory_space<vmem>>
        %dma_wait3A_165 = tpu.memref_squeeze %dma_wait3A_164 : memref<1x128xi32, #tpu.memory_space<vmem>> -> memref<128xi32, #tpu.memory_space<vmem>>
        %dma_wait3A_166 = arith.constant 0 : i32
        %dma_wait3A_167 = arith.constant 0 : i32
        %dma_wait3A_168 = tpu.memref_slice %arg13[%dma_wait3A_166, %dma_wait3A_167] : memref<10112x128xf32, #tpu.memory_space<vmem_shared>> -> memref<10112x128xf32, #tpu.memory_space<vmem_shared>>
        tpu.wait_indirect_dma semaphore(%run_scoped3A : memref<!tpu.dma_semaphore, #tpu.memory_space<semaphore_mem>>) src(%arg12 : memref<128x128xf32, #tpu.memory_space<vmem>>) dst(%dma_wait3A_168 : memref<10112x128xf32, #tpu.memory_space<vmem_shared>>)
        tpu.yield
      }) : () -> ()
      %dma_wait3A_145 = arith.constant 0 : i32
      %dma_wait3A_146 = tpu.memref_slice %arg10[%add3A_133, %dma_wait3A_145] : memref<40x128xi32, #tpu.memory_space<vmem>> -> memref<1x128xi32, #tpu.memory_space<vmem>>
      %dma_wait3A_147 = tpu.memref_squeeze %dma_wait3A_146 : memref<1x128xi32, #tpu.memory_space<vmem>> -> memref<128xi32, #tpu.memory_space<vmem>>
      %dma_wait3A_148 = arith.constant 0 : i32
      %dma_wait3A_149 = tpu.memref_slice %arg17[%dma_wait3A_148] : memref<10112xf32, #tpu.memory_space<vmem_shared>> -> memref<10112xf32, #tpu.memory_space<vmem_shared>>
      tpu.wait_indirect_dma semaphore(%arg18 : memref<!tpu.dma_semaphore, #tpu.memory_space<semaphore_mem>>) src(%arg16 : memref<128xf32, #tpu.memory_space<vmem>>) dst(%dma_wait3A_149 : memref<10112xf32, #tpu.memory_space<vmem_shared>>)
      %add3A_150 = arith.constant 2 : i32
      %add3A_151 = arith.addi %add3A_133, %add3A_150 : i32
      %lt3A_152 = arith.constant 40 : i32
      %lt3A_153 = arith.cmpi slt, %add3A_151, %lt3A_152 : i32
      %convert_element_type3A_154 = arith.extui %lt3A_153 : i1 to i32
      %cond3A_155 = arith.constant 0 : i32
      %cond3A_156 = arith.cmpi ne, %convert_element_type3A_154, %cond3A_155 : i32
      scf.if %cond3A_156 {
        %add3A_157 = arith.constant 2 : i32
        %add3A_158 = arith.addi %add3A_133, %add3A_157 : i32
        %dma_start3A_159 = arith.constant 0 : i32
        %dma_start3A_160 = tpu.memref_slice %arg9[%add3A_158, %dma_start3A_159] : memref<40x128xi32, #tpu.memory_space<vmem>> -> memref<1x128xi32, #tpu.memory_space<vmem>>
        %dma_start3A_161 = tpu.memref_squeeze %dma_start3A_160 : memref<1x128xi32, #tpu.memory_space<vmem>> -> memref<128xi32, #tpu.memory_space<vmem>>
        %dma_start3A_162 = arith.constant 0 : i32
        %dma_start3A_163 = arith.constant 0 : i32
        %dma_start3A_164 = tpu.memref_slice %arg2[%dma_start3A_162, %dma_start3A_163] : memref<10000x128xf32, #tpu.memory_space<hbm>> -> memref<10000x128xf32, #tpu.memory_space<hbm>>
        tpu.enqueue_indirect_dma source(%dma_start3A_164 : memref<10000x128xf32, #tpu.memory_space<hbm>>) target(%arg12 : memref<128x128xf32, #tpu.memory_space<vmem>>) offsets(%dma_start3A_161 : memref<128xi32, #tpu.memory_space<vmem>>) semaphore(%arg15 : memref<!tpu.dma_semaphore, #tpu.memory_space<semaphore_mem>>)
      } else {
      }
    }
    %scan3A_70 = arith.constant 20 : i32
    %mul3A_71 = arith.constant 80 : i32
    %mul3A_72 = arith.muli %add3A, %mul3A_71 : i32
    %add3A_73 = arith.constant 40 : i32
    %add3A_74 = arith.addi %mul3A_72, %add3A_73 : i32
    "tpu.region"() ({
      %run_scoped3A = tpu.sem_alloc : memref<!tpu.dma_semaphore, #tpu.memory_space<semaphore_mem>>
      %dma_start3A_104 = arith.constant 0 : i32
      %dma_start3A_105 = tpu.memref_slice %arg3[%add3A_74, %dma_start3A_104] : memref<2560x128xi32, #tpu.memory_space<hbm>> -> memref<40x128xi32, #tpu.memory_space<hbm>>
      %dma_start3A_106 = arith.constant 0 : i32
      %dma_start3A_107 = tpu.memref_slice %arg3[%add3A_74, %dma_start3A_106] : memref<2560x128xi32, #tpu.memory_space<hbm>> -> memref<40x128xi32, #tpu.memory_space<hbm>>
      tpu.enqueue_dma source(%dma_start3A_107 : memref<40x128xi32, #tpu.memory_space<hbm>>) target(%arg9 : memref<40x128xi32, #tpu.memory_space<vmem>>) target_semaphore(%run_scoped3A : memref<!tpu.dma_semaphore, #tpu.memory_space<semaphore_mem>>)
      %dma_wait3A = arith.constant 0 : i32
      %dma_wait3A_108 = tpu.memref_slice %arg3[%add3A_74, %dma_wait3A] : memref<2560x128xi32, #tpu.memory_space<hbm>> -> memref<40x128xi32, #tpu.memory_space<hbm>>
      %dma_wait3A_109 = arith.constant 0 : i32
      %dma_wait3A_110 = tpu.memref_slice %arg3[%add3A_74, %dma_wait3A_109] : memref<2560x128xi32, #tpu.memory_space<hbm>> -> memref<40x128xi32, #tpu.memory_space<hbm>>
      tpu.wait_dma2 semaphore(%run_scoped3A : memref<!tpu.dma_semaphore, #tpu.memory_space<semaphore_mem>>) src(%dma_wait3A_110 : memref<40x128xi32, #tpu.memory_space<hbm>>) dst(%arg9 : memref<40x128xi32, #tpu.memory_space<vmem>>)
      tpu.yield
    }) : () -> ()
    "tpu.region"() ({
      %run_scoped3A = tpu.sem_alloc : memref<!tpu.dma_semaphore, #tpu.memory_space<semaphore_mem>>
      %dma_start3A_104 = arith.constant 0 : i32
      %dma_start3A_105 = tpu.memref_slice %arg4[%add3A_74, %dma_start3A_104] : memref<2560x128xi32, #tpu.memory_space<hbm>> -> memref<40x128xi32, #tpu.memory_space<hbm>>
      %dma_start3A_106 = arith.constant 0 : i32
      %dma_start3A_107 = tpu.memref_slice %arg4[%add3A_74, %dma_start3A_106] : memref<2560x128xi32, #tpu.memory_space<hbm>> -> memref<40x128xi32, #tpu.memory_space<hbm>>
      tpu.enqueue_dma source(%dma_start3A_107 : memref<40x128xi32, #tpu.memory_space<hbm>>) target(%arg10 : memref<40x128xi32, #tpu.memory_space<vmem>>) target_semaphore(%run_scoped3A : memref<!tpu.dma_semaphore, #tpu.memory_space<semaphore_mem>>)
      %dma_wait3A = arith.constant 0 : i32
      %dma_wait3A_108 = tpu.memref_slice %arg4[%add3A_74, %dma_wait3A] : memref<2560x128xi32, #tpu.memory_space<hbm>> -> memref<40x128xi32, #tpu.memory_space<hbm>>
      %dma_wait3A_109 = arith.constant 0 : i32
      %dma_wait3A_110 = tpu.memref_slice %arg4[%add3A_74, %dma_wait3A_109] : memref<2560x128xi32, #tpu.memory_space<hbm>> -> memref<40x128xi32, #tpu.memory_space<hbm>>
      tpu.wait_dma2 semaphore(%run_scoped3A : memref<!tpu.dma_semaphore, #tpu.memory_space<semaphore_mem>>) src(%dma_wait3A_110 : memref<40x128xi32, #tpu.memory_space<hbm>>) dst(%arg10 : memref<40x128xi32, #tpu.memory_space<vmem>>)
      tpu.yield
    }) : () -> ()
    %dma_start3A_75 = arith.constant 0 : i32
    %dma_start3A_76 = arith.constant 0 : i32
    %dma_start3A_77 = tpu.memref_slice %arg9[%dma_start3A_75, %dma_start3A_76] : memref<40x128xi32, #tpu.memory_space<vmem>> -> memref<1x128xi32, #tpu.memory_space<vmem>>
    %dma_start3A_78 = tpu.memref_squeeze %dma_start3A_77 : memref<1x128xi32, #tpu.memory_space<vmem>> -> memref<128xi32, #tpu.memory_space<vmem>>
    %dma_start3A_79 = arith.constant 0 : i32
    %dma_start3A_80 = arith.constant 0 : i32
    %dma_start3A_81 = tpu.memref_slice %arg2[%dma_start3A_79, %dma_start3A_80] : memref<10000x128xf32, #tpu.memory_space<hbm>> -> memref<10000x128xf32, #tpu.memory_space<hbm>>
    tpu.enqueue_indirect_dma source(%dma_start3A_81 : memref<10000x128xf32, #tpu.memory_space<hbm>>) target(%arg11 : memref<128x128xf32, #tpu.memory_space<vmem>>) offsets(%dma_start3A_78 : memref<128xi32, #tpu.memory_space<vmem>>) semaphore(%arg14 : memref<!tpu.dma_semaphore, #tpu.memory_space<semaphore_mem>>)
    %dma_start3A_82 = arith.constant 1 : i32
    %dma_start3A_83 = arith.constant 0 : i32
    %dma_start3A_84 = tpu.memref_slice %arg9[%dma_start3A_82, %dma_start3A_83] : memref<40x128xi32, #tpu.memory_space<vmem>> -> memref<1x128xi32, #tpu.memory_space<vmem>>
    %dma_start3A_85 = tpu.memref_squeeze %dma_start3A_84 : memref<1x128xi32, #tpu.memory_space<vmem>> -> memref<128xi32, #tpu.memory_space<vmem>>
    %dma_start3A_86 = arith.constant 0 : i32
    %dma_start3A_87 = arith.constant 0 : i32
    %dma_start3A_88 = tpu.memref_slice %arg2[%dma_start3A_86, %dma_start3A_87] : memref<10000x128xf32, #tpu.memory_space<hbm>> -> memref<10000x128xf32, #tpu.memory_space<hbm>>
    tpu.enqueue_indirect_dma source(%dma_start3A_88 : memref<10000x128xf32, #tpu.memory_space<hbm>>) target(%arg12 : memref<128x128xf32, #tpu.memory_space<vmem>>) offsets(%dma_start3A_85 : memref<128xi32, #tpu.memory_space<vmem>>) semaphore(%arg15 : memref<!tpu.dma_semaphore, #tpu.memory_space<semaphore_mem>>)
    %scan3A_89 = arith.constant 0 : i32
    %scan3A_90 = arith.constant 0 : i32
    %scan3A_91 = arith.constant 20 : i32
    %scan3A_92 = arith.addi %scan3A_90, %scan3A_91 : i32
    %scan3A_93 = arith.constant 1 : i32
    scf.for %scan3A_104 = %scan3A_90 to %scan3A_92 step %scan3A_93  : i32 {
      %mul3A_105 = arith.constant 2 : i32
      %mul3A_106 = arith.muli %mul3A_105, %scan3A_104 : i32
      %add3A_107 = arith.constant 0 : i32
      %add3A_108 = arith.addi %mul3A_106, %add3A_107 : i32
      %dma_wait3A = arith.constant 0 : i32
      %dma_wait3A_109 = tpu.memref_slice %arg9[%add3A_108, %dma_wait3A] : memref<40x128xi32, #tpu.memory_space<vmem>> -> memref<1x128xi32, #tpu.memory_space<vmem>>
      %dma_wait3A_110 = tpu.memref_squeeze %dma_wait3A_109 : memref<1x128xi32, #tpu.memory_space<vmem>> -> memref<128xi32, #tpu.memory_space<vmem>>
      %dma_wait3A_111 = arith.constant 0 : i32
      %dma_wait3A_112 = arith.constant 0 : i32
      %dma_wait3A_113 = tpu.memref_slice %arg2[%dma_wait3A_111, %dma_wait3A_112] : memref<10000x128xf32, #tpu.memory_space<hbm>> -> memref<10000x128xf32, #tpu.memory_space<hbm>>
      tpu.wait_indirect_dma semaphore(%arg14 : memref<!tpu.dma_semaphore, #tpu.memory_space<semaphore_mem>>) src(%dma_wait3A_113 : memref<10000x128xf32, #tpu.memory_space<hbm>>) dst(%arg11 : memref<128x128xf32, #tpu.memory_space<vmem>>)
      %dma_start3A_114 = arith.constant 0 : i32
      %dma_start3A_115 = tpu.memref_slice %arg10[%add3A_108, %dma_start3A_114] : memref<40x128xi32, #tpu.memory_space<vmem>> -> memref<1x128xi32, #tpu.memory_space<vmem>>
      %dma_start3A_116 = tpu.memref_squeeze %dma_start3A_115 : memref<1x128xi32, #tpu.memory_space<vmem>> -> memref<128xi32, #tpu.memory_space<vmem>>
      %dma_start3A_117 = arith.constant 0 : i32
      %dma_start3A_118 = tpu.memref_slice %arg17[%dma_start3A_117] : memref<10112xf32, #tpu.memory_space<vmem_shared>> -> memref<10112xf32, #tpu.memory_space<vmem_shared>>
      tpu.enqueue_indirect_dma source(%arg16 : memref<128xf32, #tpu.memory_space<vmem>>) target(%dma_start3A_118 : memref<10112xf32, #tpu.memory_space<vmem_shared>>) offsets(%dma_start3A_116 : memref<128xi32, #tpu.memory_space<vmem>>) semaphore(%arg18 : memref<!tpu.dma_semaphore, #tpu.memory_space<semaphore_mem>>) {add = true}
      "tpu.region"() ({
        %run_scoped3A = tpu.sem_alloc : memref<!tpu.dma_semaphore, #tpu.memory_space<semaphore_mem>>
        %dma_start3A_157 = arith.constant 0 : i32
        %dma_start3A_158 = tpu.memref_slice %arg10[%add3A_108, %dma_start3A_157] : memref<40x128xi32, #tpu.memory_space<vmem>> -> memref<1x128xi32, #tpu.memory_space<vmem>>
        %dma_start3A_159 = tpu.memref_squeeze %dma_start3A_158 : memref<1x128xi32, #tpu.memory_space<vmem>> -> memref<128xi32, #tpu.memory_space<vmem>>
        %dma_start3A_160 = arith.constant 0 : i32
        %dma_start3A_161 = arith.constant 0 : i32
        %dma_start3A_162 = tpu.memref_slice %arg13[%dma_start3A_160, %dma_start3A_161] : memref<10112x128xf32, #tpu.memory_space<vmem_shared>> -> memref<10112x128xf32, #tpu.memory_space<vmem_shared>>
        tpu.enqueue_indirect_dma source(%arg11 : memref<128x128xf32, #tpu.memory_space<vmem>>) target(%dma_start3A_162 : memref<10112x128xf32, #tpu.memory_space<vmem_shared>>) offsets(%dma_start3A_159 : memref<128xi32, #tpu.memory_space<vmem>>) semaphore(%run_scoped3A : memref<!tpu.dma_semaphore, #tpu.memory_space<semaphore_mem>>) {add = true}
        %dma_wait3A_163 = arith.constant 0 : i32
        %dma_wait3A_164 = tpu.memref_slice %arg10[%add3A_108, %dma_wait3A_163] : memref<40x128xi32, #tpu.memory_space<vmem>> -> memref<1x128xi32, #tpu.memory_space<vmem>>
        %dma_wait3A_165 = tpu.memref_squeeze %dma_wait3A_164 : memref<1x128xi32, #tpu.memory_space<vmem>> -> memref<128xi32, #tpu.memory_space<vmem>>
        %dma_wait3A_166 = arith.constant 0 : i32
        %dma_wait3A_167 = arith.constant 0 : i32
        %dma_wait3A_168 = tpu.memref_slice %arg13[%dma_wait3A_166, %dma_wait3A_167] : memref<10112x128xf32, #tpu.memory_space<vmem_shared>> -> memref<10112x128xf32, #tpu.memory_space<vmem_shared>>
        tpu.wait_indirect_dma semaphore(%run_scoped3A : memref<!tpu.dma_semaphore, #tpu.memory_space<semaphore_mem>>) src(%arg11 : memref<128x128xf32, #tpu.memory_space<vmem>>) dst(%dma_wait3A_168 : memref<10112x128xf32, #tpu.memory_space<vmem_shared>>)
        tpu.yield
      }) : () -> ()
      %dma_wait3A_119 = arith.constant 0 : i32
      %dma_wait3A_120 = tpu.memref_slice %arg10[%add3A_108, %dma_wait3A_119] : memref<40x128xi32, #tpu.memory_space<vmem>> -> memref<1x128xi32, #tpu.memory_space<vmem>>
      %dma_wait3A_121 = tpu.memref_squeeze %dma_wait3A_120 : memref<1x128xi32, #tpu.memory_space<vmem>> -> memref<128xi32, #tpu.memory_space<vmem>>
      %dma_wait3A_122 = arith.constant 0 : i32
      %dma_wait3A_123 = tpu.memref_slice %arg17[%dma_wait3A_122] : memref<10112xf32, #tpu.memory_space<vmem_shared>> -> memref<10112xf32, #tpu.memory_space<vmem_shared>>
      tpu.wait_indirect_dma semaphore(%arg18 : memref<!tpu.dma_semaphore, #tpu.memory_space<semaphore_mem>>) src(%arg16 : memref<128xf32, #tpu.memory_space<vmem>>) dst(%dma_wait3A_123 : memref<10112xf32, #tpu.memory_space<vmem_shared>>)
      %add3A_124 = arith.constant 2 : i32
      %add3A_125 = arith.addi %add3A_108, %add3A_124 : i32
      %lt3A = arith.constant 40 : i32
      %lt3A_126 = arith.cmpi slt, %add3A_125, %lt3A : i32
      %convert_element_type3A_127 = arith.extui %lt3A_126 : i1 to i32
      %cond3A_128 = arith.constant 0 : i32
      %cond3A_129 = arith.cmpi ne, %convert_element_type3A_127, %cond3A_128 : i32
      scf.if %cond3A_129 {
        %add3A_157 = arith.constant 2 : i32
        %add3A_158 = arith.addi %add3A_108, %add3A_157 : i32
        %dma_start3A_159 = arith.constant 0 : i32
        %dma_start3A_160 = tpu.memref_slice %arg9[%add3A_158, %dma_start3A_159] : memref<40x128xi32, #tpu.memory_space<vmem>> -> memref<1x128xi32, #tpu.memory_space<vmem>>
        %dma_start3A_161 = tpu.memref_squeeze %dma_start3A_160 : memref<1x128xi32, #tpu.memory_space<vmem>> -> memref<128xi32, #tpu.memory_space<vmem>>
        %dma_start3A_162 = arith.constant 0 : i32
        %dma_start3A_163 = arith.constant 0 : i32
        %dma_start3A_164 = tpu.memref_slice %arg2[%dma_start3A_162, %dma_start3A_163] : memref<10000x128xf32, #tpu.memory_space<hbm>> -> memref<10000x128xf32, #tpu.memory_space<hbm>>
        tpu.enqueue_indirect_dma source(%dma_start3A_164 : memref<10000x128xf32, #tpu.memory_space<hbm>>) target(%arg11 : memref<128x128xf32, #tpu.memory_space<vmem>>) offsets(%dma_start3A_161 : memref<128xi32, #tpu.memory_space<vmem>>) semaphore(%arg14 : memref<!tpu.dma_semaphore, #tpu.memory_space<semaphore_mem>>)
      } else {
      }
      %mul3A_130 = arith.constant 2 : i32
      %mul3A_131 = arith.muli %mul3A_130, %scan3A_104 : i32
      %add3A_132 = arith.constant 1 : i32
      %add3A_133 = arith.addi %mul3A_131, %add3A_132 : i32
      %dma_wait3A_134 = arith.constant 0 : i32
      %dma_wait3A_135 = tpu.memref_slice %arg9[%add3A_133, %dma_wait3A_134] : memref<40x128xi32, #tpu.memory_space<vmem>> -> memref<1x128xi32, #tpu.memory_space<vmem>>
      %dma_wait3A_136 = tpu.memref_squeeze %dma_wait3A_135 : memref<1x128xi32, #tpu.memory_space<vmem>> -> memref<128xi32, #tpu.memory_space<vmem>>
      %dma_wait3A_137 = arith.constant 0 : i32
      %dma_wait3A_138 = arith.constant 0 : i32
      %dma_wait3A_139 = tpu.memref_slice %arg2[%dma_wait3A_137, %dma_wait3A_138] : memref<10000x128xf32, #tpu.memory_space<hbm>> -> memref<10000x128xf32, #tpu.memory_space<hbm>>
      tpu.wait_indirect_dma semaphore(%arg15 : memref<!tpu.dma_semaphore, #tpu.memory_space<semaphore_mem>>) src(%dma_wait3A_139 : memref<10000x128xf32, #tpu.memory_space<hbm>>) dst(%arg12 : memref<128x128xf32, #tpu.memory_space<vmem>>)
      %dma_start3A_140 = arith.constant 0 : i32
      %dma_start3A_141 = tpu.memref_slice %arg10[%add3A_133, %dma_start3A_140] : memref<40x128xi32, #tpu.memory_space<vmem>> -> memref<1x128xi32, #tpu.memory_space<vmem>>
      %dma_start3A_142 = tpu.memref_squeeze %dma_start3A_141 : memref<1x128xi32, #tpu.memory_space<vmem>> -> memref<128xi32, #tpu.memory_space<vmem>>
      %dma_start3A_143 = arith.constant 0 : i32
      %dma_start3A_144 = tpu.memref_slice %arg17[%dma_start3A_143] : memref<10112xf32, #tpu.memory_space<vmem_shared>> -> memref<10112xf32, #tpu.memory_space<vmem_shared>>
      tpu.enqueue_indirect_dma source(%arg16 : memref<128xf32, #tpu.memory_space<vmem>>) target(%dma_start3A_144 : memref<10112xf32, #tpu.memory_space<vmem_shared>>) offsets(%dma_start3A_142 : memref<128xi32, #tpu.memory_space<vmem>>) semaphore(%arg18 : memref<!tpu.dma_semaphore, #tpu.memory_space<semaphore_mem>>) {add = true}
      "tpu.region"() ({
        %run_scoped3A = tpu.sem_alloc : memref<!tpu.dma_semaphore, #tpu.memory_space<semaphore_mem>>
        %dma_start3A_157 = arith.constant 0 : i32
        %dma_start3A_158 = tpu.memref_slice %arg10[%add3A_133, %dma_start3A_157] : memref<40x128xi32, #tpu.memory_space<vmem>> -> memref<1x128xi32, #tpu.memory_space<vmem>>
        %dma_start3A_159 = tpu.memref_squeeze %dma_start3A_158 : memref<1x128xi32, #tpu.memory_space<vmem>> -> memref<128xi32, #tpu.memory_space<vmem>>
        %dma_start3A_160 = arith.constant 0 : i32
        %dma_start3A_161 = arith.constant 0 : i32
        %dma_start3A_162 = tpu.memref_slice %arg13[%dma_start3A_160, %dma_start3A_161] : memref<10112x128xf32, #tpu.memory_space<vmem_shared>> -> memref<10112x128xf32, #tpu.memory_space<vmem_shared>>
        tpu.enqueue_indirect_dma source(%arg12 : memref<128x128xf32, #tpu.memory_space<vmem>>) target(%dma_start3A_162 : memref<10112x128xf32, #tpu.memory_space<vmem_shared>>) offsets(%dma_start3A_159 : memref<128xi32, #tpu.memory_space<vmem>>) semaphore(%run_scoped3A : memref<!tpu.dma_semaphore, #tpu.memory_space<semaphore_mem>>) {add = true}
        %dma_wait3A_163 = arith.constant 0 : i32
        %dma_wait3A_164 = tpu.memref_slice %arg10[%add3A_133, %dma_wait3A_163] : memref<40x128xi32, #tpu.memory_space<vmem>> -> memref<1x128xi32, #tpu.memory_space<vmem>>
        %dma_wait3A_165 = tpu.memref_squeeze %dma_wait3A_164 : memref<1x128xi32, #tpu.memory_space<vmem>> -> memref<128xi32, #tpu.memory_space<vmem>>
        %dma_wait3A_166 = arith.constant 0 : i32
        %dma_wait3A_167 = arith.constant 0 : i32
        %dma_wait3A_168 = tpu.memref_slice %arg13[%dma_wait3A_166, %dma_wait3A_167] : memref<10112x128xf32, #tpu.memory_space<vmem_shared>> -> memref<10112x128xf32, #tpu.memory_space<vmem_shared>>
        tpu.wait_indirect_dma semaphore(%run_scoped3A : memref<!tpu.dma_semaphore, #tpu.memory_space<semaphore_mem>>) src(%arg12 : memref<128x128xf32, #tpu.memory_space<vmem>>) dst(%dma_wait3A_168 : memref<10112x128xf32, #tpu.memory_space<vmem_shared>>)
        tpu.yield
      }) : () -> ()
      %dma_wait3A_145 = arith.constant 0 : i32
      %dma_wait3A_146 = tpu.memref_slice %arg10[%add3A_133, %dma_wait3A_145] : memref<40x128xi32, #tpu.memory_space<vmem>> -> memref<1x128xi32, #tpu.memory_space<vmem>>
      %dma_wait3A_147 = tpu.memref_squeeze %dma_wait3A_146 : memref<1x128xi32, #tpu.memory_space<vmem>> -> memref<128xi32, #tpu.memory_space<vmem>>
      %dma_wait3A_148 = arith.constant 0 : i32
      %dma_wait3A_149 = tpu.memref_slice %arg17[%dma_wait3A_148] : memref<10112xf32, #tpu.memory_space<vmem_shared>> -> memref<10112xf32, #tpu.memory_space<vmem_shared>>
      tpu.wait_indirect_dma semaphore(%arg18 : memref<!tpu.dma_semaphore, #tpu.memory_space<semaphore_mem>>) src(%arg16 : memref<128xf32, #tpu.memory_space<vmem>>) dst(%dma_wait3A_149 : memref<10112xf32, #tpu.memory_space<vmem_shared>>)
      %add3A_150 = arith.constant 2 : i32
      %add3A_151 = arith.addi %add3A_133, %add3A_150 : i32
      %lt3A_152 = arith.constant 40 : i32
      %lt3A_153 = arith.cmpi slt, %add3A_151, %lt3A_152 : i32
      %convert_element_type3A_154 = arith.extui %lt3A_153 : i1 to i32
      %cond3A_155 = arith.constant 0 : i32
      %cond3A_156 = arith.cmpi ne, %convert_element_type3A_154, %cond3A_155 : i32
      scf.if %cond3A_156 {
        %add3A_157 = arith.constant 2 : i32
        %add3A_158 = arith.addi %add3A_133, %add3A_157 : i32
        %dma_start3A_159 = arith.constant 0 : i32
        %dma_start3A_160 = tpu.memref_slice %arg9[%add3A_158, %dma_start3A_159] : memref<40x128xi32, #tpu.memory_space<vmem>> -> memref<1x128xi32, #tpu.memory_space<vmem>>
        %dma_start3A_161 = tpu.memref_squeeze %dma_start3A_160 : memref<1x128xi32, #tpu.memory_space<vmem>> -> memref<128xi32, #tpu.memory_space<vmem>>
        %dma_start3A_162 = arith.constant 0 : i32
        %dma_start3A_163 = arith.constant 0 : i32
        %dma_start3A_164 = tpu.memref_slice %arg2[%dma_start3A_162, %dma_start3A_163] : memref<10000x128xf32, #tpu.memory_space<hbm>> -> memref<10000x128xf32, #tpu.memory_space<hbm>>
        tpu.enqueue_indirect_dma source(%dma_start3A_164 : memref<10000x128xf32, #tpu.memory_space<hbm>>) target(%arg12 : memref<128x128xf32, #tpu.memory_space<vmem>>) offsets(%dma_start3A_161 : memref<128xi32, #tpu.memory_space<vmem>>) semaphore(%arg15 : memref<!tpu.dma_semaphore, #tpu.memory_space<semaphore_mem>>)
      } else {
      }
    }
    %scan3A_94 = arith.constant 20 : i32
    %barrier3A_95 = arith.constant 0 : index
    tpu.barrier barrier_id(%barrier3A_95)
    %mul3A_96 = arith.constant 10112 : i32
    %mul3A_97 = arith.muli %arg0, %mul3A_96 : i32
    %add3A_98 = arith.addi %mul3A_97, %mul3A_2 : i32
    "tpu.region"() ({
      %run_scoped3A = tpu.sem_alloc : memref<!tpu.dma_semaphore, #tpu.memory_space<semaphore_mem>>
      %dma_start3A_104 = arith.constant 0 : i32
      %dma_start3A_105 = tpu.memref_slice %arg7[%add3A_98, %dma_start3A_104] : memref<20224x128xf32, #tpu.memory_space<hbm>> -> memref<632x128xf32, #tpu.memory_space<hbm>>
      %dma_start3A_106 = arith.constant 0 : i32
      %dma_start3A_107 = tpu.memref_slice %arg13[%mul3A_2, %dma_start3A_106] : memref<10112x128xf32, #tpu.memory_space<vmem_shared>> -> memref<632x128xf32, #tpu.memory_space<vmem_shared>>
      tpu.enqueue_dma source(%dma_start3A_107 : memref<632x128xf32, #tpu.memory_space<vmem_shared>>) target(%dma_start3A_105 : memref<632x128xf32, #tpu.memory_space<hbm>>) target_semaphore(%run_scoped3A : memref<!tpu.dma_semaphore, #tpu.memory_space<semaphore_mem>>)
      %dma_wait3A = arith.constant 0 : i32
      %dma_wait3A_108 = tpu.memref_slice %arg7[%add3A_98, %dma_wait3A] : memref<20224x128xf32, #tpu.memory_space<hbm>> -> memref<632x128xf32, #tpu.memory_space<hbm>>
      %dma_wait3A_109 = arith.constant 0 : i32
      %dma_wait3A_110 = tpu.memref_slice %arg13[%mul3A_2, %dma_wait3A_109] : memref<10112x128xf32, #tpu.memory_space<vmem_shared>> -> memref<632x128xf32, #tpu.memory_space<vmem_shared>>
      tpu.wait_dma2 semaphore(%run_scoped3A : memref<!tpu.dma_semaphore, #tpu.memory_space<semaphore_mem>>) src(%dma_wait3A_110 : memref<632x128xf32, #tpu.memory_space<vmem_shared>>) dst(%dma_wait3A_108 : memref<632x128xf32, #tpu.memory_space<hbm>>)
      tpu.yield
    }) : () -> ()
    %eq3A_99 = arith.constant 0 : i32
    %eq3A_100 = arith.cmpi eq, %arg1, %eq3A_99 : i32
    %convert_element_type3A_101 = arith.extui %eq3A_100 : i1 to i32
    %cond3A_102 = arith.constant 0 : i32
    %cond3A_103 = arith.cmpi ne, %convert_element_type3A_101, %cond3A_102 : i32
    scf.if %cond3A_103 {
      %mul3A_104 = arith.constant 10112 : i32
      %mul3A_105 = arith.muli %arg0, %mul3A_104 : i32
      "tpu.region"() ({
        %run_scoped3A = tpu.sem_alloc : memref<!tpu.dma_semaphore, #tpu.memory_space<semaphore_mem>>
        %dma_start3A_106 = tpu.memref_slice %arg8[%mul3A_105] : memref<20224xf32, #tpu.memory_space<hbm>> -> memref<10112xf32, #tpu.memory_space<hbm>>
        tpu.enqueue_dma source(%arg17 : memref<10112xf32, #tpu.memory_space<vmem_shared>>) target(%dma_start3A_106 : memref<10112xf32, #tpu.memory_space<hbm>>) target_semaphore(%run_scoped3A : memref<!tpu.dma_semaphore, #tpu.memory_space<semaphore_mem>>)
        %dma_wait3A = tpu.memref_slice %arg8[%mul3A_105] : memref<20224xf32, #tpu.memory_space<hbm>> -> memref<10112xf32, #tpu.memory_space<hbm>>
        tpu.wait_dma2 semaphore(%run_scoped3A : memref<!tpu.dma_semaphore, #tpu.memory_space<semaphore_mem>>) src(%arg17 : memref<10112xf32, #tpu.memory_space<vmem_shared>>) dst(%dma_wait3A : memref<10112xf32, #tpu.memory_space<hbm>>)
        tpu.yield
      }) : () -> ()
    } else {
    }
    return
  }
}

#map = affine_map<(d0, d1) -> (0, 0)>
module attributes {stable_mosaic.version = 14 : i64} {
  func.func @body_nd(%arg0: i32, %arg1: i32, %arg2: memref<10000x64xf32, #tpu.memory_space<hbm>>, %arg3: memref<2560x128xi32, #tpu.memory_space<hbm>>, %arg4: memref<2560x128xi32, #tpu.memory_space<hbm>>, %arg5: memref<10112x64xf32, #tpu.memory_space<hbm>>, %arg6: memref<10112x128xf32, #tpu.memory_space<hbm>>, %arg7: memref<40x128xi32, #tpu.memory_space<vmem>>, %arg8: memref<40x128xi32, #tpu.memory_space<vmem>>, %arg9: memref<128x64xf32, #tpu.memory_space<vmem>>, %arg10: memref<128x64xf32, #tpu.memory_space<vmem>>, %arg11: memref<128x64xf32, #tpu.memory_space<vmem>>, %arg12: memref<128x64xf32, #tpu.memory_space<vmem>>, %arg13: memref<10112x64xf32, #tpu.memory_space<vmem_shared>>, %arg14: memref<!tpu.dma_semaphore, #tpu.memory_space<semaphore_mem>>, %arg15: memref<!tpu.dma_semaphore, #tpu.memory_space<semaphore_mem>>, %arg16: memref<!tpu.dma_semaphore, #tpu.memory_space<semaphore_mem>>, %arg17: memref<!tpu.dma_semaphore, #tpu.memory_space<semaphore_mem>>) attributes {dimension_semantics = [#tpu.dimension_semantics<core_parallel>, #tpu.dimension_semantics<subcore_parallel>], iteration_bounds = array<i64: 2, 16>, scalar_prefetch = 0 : i64, scratch_operands = 11 : i64, tpu.core_type = #tpu.core_type<sc_vector_subcore>, window_params = [{transform_indices = #map}, {transform_indices = #map}, {transform_indices = #map}, {transform_indices = #map}, {transform_indices = #map}]} {
    %mul3A = arith.constant 2 : i32
    %mul3A_0 = arith.muli %arg1, %mul3A : i32
    %add3A = arith.addi %mul3A_0, %arg0 : i32
    %mul3A_1 = arith.constant 632 : i32
    %mul3A_2 = arith.muli %arg1, %mul3A_1 : i32
    %mul3A_3 = arith.constant 80 : i32
    %mul3A_4 = arith.muli %add3A, %mul3A_3 : i32
    "tpu.region"() ({
      %run_scoped3A = tpu.sem_alloc : memref<!tpu.dma_semaphore, #tpu.memory_space<semaphore_mem>>
      %dma_start3A_78 = arith.constant 0 : i32
      %dma_start3A_79 = tpu.memref_slice %arg3[%mul3A_4, %dma_start3A_78] : memref<2560x128xi32, #tpu.memory_space<hbm>> -> memref<40x128xi32, #tpu.memory_space<hbm>>
      %dma_start3A_80 = arith.constant 0 : i32
      %dma_start3A_81 = tpu.memref_slice %arg3[%mul3A_4, %dma_start3A_80] : memref<2560x128xi32, #tpu.memory_space<hbm>> -> memref<40x128xi32, #tpu.memory_space<hbm>>
      tpu.enqueue_dma source(%dma_start3A_81 : memref<40x128xi32, #tpu.memory_space<hbm>>) target(%arg7 : memref<40x128xi32, #tpu.memory_space<vmem>>) target_semaphore(%run_scoped3A : memref<!tpu.dma_semaphore, #tpu.memory_space<semaphore_mem>>)
      %dma_wait3A = arith.constant 0 : i32
      %dma_wait3A_82 = tpu.memref_slice %arg3[%mul3A_4, %dma_wait3A] : memref<2560x128xi32, #tpu.memory_space<hbm>> -> memref<40x128xi32, #tpu.memory_space<hbm>>
      %dma_wait3A_83 = arith.constant 0 : i32
      %dma_wait3A_84 = tpu.memref_slice %arg3[%mul3A_4, %dma_wait3A_83] : memref<2560x128xi32, #tpu.memory_space<hbm>> -> memref<40x128xi32, #tpu.memory_space<hbm>>
      tpu.wait_dma2 semaphore(%run_scoped3A : memref<!tpu.dma_semaphore, #tpu.memory_space<semaphore_mem>>) src(%dma_wait3A_84 : memref<40x128xi32, #tpu.memory_space<hbm>>) dst(%arg7 : memref<40x128xi32, #tpu.memory_space<vmem>>)
      tpu.yield
    }) : () -> ()
    "tpu.region"() ({
      %run_scoped3A = tpu.sem_alloc : memref<!tpu.dma_semaphore, #tpu.memory_space<semaphore_mem>>
      %dma_start3A_78 = arith.constant 0 : i32
      %dma_start3A_79 = tpu.memref_slice %arg4[%mul3A_4, %dma_start3A_78] : memref<2560x128xi32, #tpu.memory_space<hbm>> -> memref<40x128xi32, #tpu.memory_space<hbm>>
      %dma_start3A_80 = arith.constant 0 : i32
      %dma_start3A_81 = tpu.memref_slice %arg4[%mul3A_4, %dma_start3A_80] : memref<2560x128xi32, #tpu.memory_space<hbm>> -> memref<40x128xi32, #tpu.memory_space<hbm>>
      tpu.enqueue_dma source(%dma_start3A_81 : memref<40x128xi32, #tpu.memory_space<hbm>>) target(%arg8 : memref<40x128xi32, #tpu.memory_space<vmem>>) target_semaphore(%run_scoped3A : memref<!tpu.dma_semaphore, #tpu.memory_space<semaphore_mem>>)
      %dma_wait3A = arith.constant 0 : i32
      %dma_wait3A_82 = tpu.memref_slice %arg4[%mul3A_4, %dma_wait3A] : memref<2560x128xi32, #tpu.memory_space<hbm>> -> memref<40x128xi32, #tpu.memory_space<hbm>>
      %dma_wait3A_83 = arith.constant 0 : i32
      %dma_wait3A_84 = tpu.memref_slice %arg4[%mul3A_4, %dma_wait3A_83] : memref<2560x128xi32, #tpu.memory_space<hbm>> -> memref<40x128xi32, #tpu.memory_space<hbm>>
      tpu.wait_dma2 semaphore(%run_scoped3A : memref<!tpu.dma_semaphore, #tpu.memory_space<semaphore_mem>>) src(%dma_wait3A_84 : memref<40x128xi32, #tpu.memory_space<hbm>>) dst(%arg8 : memref<40x128xi32, #tpu.memory_space<vmem>>)
      tpu.yield
    }) : () -> ()
    %dma_start3A = arith.constant 0 : i32
    %dma_start3A_5 = arith.constant 0 : i32
    %dma_start3A_6 = tpu.memref_slice %arg7[%dma_start3A, %dma_start3A_5] : memref<40x128xi32, #tpu.memory_space<vmem>> -> memref<1x128xi32, #tpu.memory_space<vmem>>
    %dma_start3A_7 = tpu.memref_squeeze %dma_start3A_6 : memref<1x128xi32, #tpu.memory_space<vmem>> -> memref<128xi32, #tpu.memory_space<vmem>>
    %dma_start3A_8 = arith.constant 0 : i32
    %dma_start3A_9 = arith.constant 0 : i32
    %dma_start3A_10 = tpu.memref_slice %arg2[%dma_start3A_8, %dma_start3A_9] : memref<10000x64xf32, #tpu.memory_space<hbm>> -> memref<10000x64xf32, #tpu.memory_space<hbm>>
    tpu.enqueue_indirect_dma source(%dma_start3A_10 : memref<10000x64xf32, #tpu.memory_space<hbm>>) target(%arg9 : memref<128x64xf32, #tpu.memory_space<vmem>>) offsets(%dma_start3A_7 : memref<128xi32, #tpu.memory_space<vmem>>) semaphore(%arg14 : memref<!tpu.dma_semaphore, #tpu.memory_space<semaphore_mem>>)
    %dma_start3A_11 = arith.constant 1 : i32
    %dma_start3A_12 = arith.constant 0 : i32
    %dma_start3A_13 = tpu.memref_slice %arg7[%dma_start3A_11, %dma_start3A_12] : memref<40x128xi32, #tpu.memory_space<vmem>> -> memref<1x128xi32, #tpu.memory_space<vmem>>
    %dma_start3A_14 = tpu.memref_squeeze %dma_start3A_13 : memref<1x128xi32, #tpu.memory_space<vmem>> -> memref<128xi32, #tpu.memory_space<vmem>>
    %dma_start3A_15 = arith.constant 0 : i32
    %dma_start3A_16 = arith.constant 0 : i32
    %dma_start3A_17 = tpu.memref_slice %arg2[%dma_start3A_15, %dma_start3A_16] : memref<10000x64xf32, #tpu.memory_space<hbm>> -> memref<10000x64xf32, #tpu.memory_space<hbm>>
    tpu.enqueue_indirect_dma source(%dma_start3A_17 : memref<10000x64xf32, #tpu.memory_space<hbm>>) target(%arg10 : memref<128x64xf32, #tpu.memory_space<vmem>>) offsets(%dma_start3A_14 : memref<128xi32, #tpu.memory_space<vmem>>) semaphore(%arg15 : memref<!tpu.dma_semaphore, #tpu.memory_space<semaphore_mem>>)
    %dma_start3A_18 = arith.constant 2 : i32
    %dma_start3A_19 = arith.constant 0 : i32
    %dma_start3A_20 = tpu.memref_slice %arg7[%dma_start3A_18, %dma_start3A_19] : memref<40x128xi32, #tpu.memory_space<vmem>> -> memref<1x128xi32, #tpu.memory_space<vmem>>
    %dma_start3A_21 = tpu.memref_squeeze %dma_start3A_20 : memref<1x128xi32, #tpu.memory_space<vmem>> -> memref<128xi32, #tpu.memory_space<vmem>>
    %dma_start3A_22 = arith.constant 0 : i32
    %dma_start3A_23 = arith.constant 0 : i32
    %dma_start3A_24 = tpu.memref_slice %arg2[%dma_start3A_22, %dma_start3A_23] : memref<10000x64xf32, #tpu.memory_space<hbm>> -> memref<10000x64xf32, #tpu.memory_space<hbm>>
    tpu.enqueue_indirect_dma source(%dma_start3A_24 : memref<10000x64xf32, #tpu.memory_space<hbm>>) target(%arg11 : memref<128x64xf32, #tpu.memory_space<vmem>>) offsets(%dma_start3A_21 : memref<128xi32, #tpu.memory_space<vmem>>) semaphore(%arg16 : memref<!tpu.dma_semaphore, #tpu.memory_space<semaphore_mem>>)
    %dma_start3A_25 = arith.constant 3 : i32
    %dma_start3A_26 = arith.constant 0 : i32
    %dma_start3A_27 = tpu.memref_slice %arg7[%dma_start3A_25, %dma_start3A_26] : memref<40x128xi32, #tpu.memory_space<vmem>> -> memref<1x128xi32, #tpu.memory_space<vmem>>
    %dma_start3A_28 = tpu.memref_squeeze %dma_start3A_27 : memref<1x128xi32, #tpu.memory_space<vmem>> -> memref<128xi32, #tpu.memory_space<vmem>>
    %dma_start3A_29 = arith.constant 0 : i32
    %dma_start3A_30 = arith.constant 0 : i32
    %dma_start3A_31 = tpu.memref_slice %arg2[%dma_start3A_29, %dma_start3A_30] : memref<10000x64xf32, #tpu.memory_space<hbm>> -> memref<10000x64xf32, #tpu.memory_space<hbm>>
    tpu.enqueue_indirect_dma source(%dma_start3A_31 : memref<10000x64xf32, #tpu.memory_space<hbm>>) target(%arg12 : memref<128x64xf32, #tpu.memory_space<vmem>>) offsets(%dma_start3A_28 : memref<128xi32, #tpu.memory_space<vmem>>) semaphore(%arg17 : memref<!tpu.dma_semaphore, #tpu.memory_space<semaphore_mem>>)
    "tpu.region"() ({
      %run_scoped3A = tpu.sem_alloc : memref<!tpu.dma_semaphore, #tpu.memory_space<semaphore_mem>>
      %dma_start3A_78 = arith.constant 0 : i32
      %dma_start3A_79 = tpu.memref_slice %arg13[%mul3A_2, %dma_start3A_78] : memref<10112x64xf32, #tpu.memory_space<vmem_shared>> -> memref<632x64xf32, #tpu.memory_space<vmem_shared>>
      %dma_start3A_80 = arith.constant 0 : i32
      %dma_start3A_81 = tpu.memref_slice %arg5[%mul3A_2, %dma_start3A_80] : memref<10112x64xf32, #tpu.memory_space<hbm>> -> memref<632x64xf32, #tpu.memory_space<hbm>>
      tpu.enqueue_dma source(%dma_start3A_81 : memref<632x64xf32, #tpu.memory_space<hbm>>) target(%dma_start3A_79 : memref<632x64xf32, #tpu.memory_space<vmem_shared>>) target_semaphore(%run_scoped3A : memref<!tpu.dma_semaphore, #tpu.memory_space<semaphore_mem>>)
      %dma_wait3A = arith.constant 0 : i32
      %dma_wait3A_82 = tpu.memref_slice %arg13[%mul3A_2, %dma_wait3A] : memref<10112x64xf32, #tpu.memory_space<vmem_shared>> -> memref<632x64xf32, #tpu.memory_space<vmem_shared>>
      %dma_wait3A_83 = arith.constant 0 : i32
      %dma_wait3A_84 = tpu.memref_slice %arg5[%mul3A_2, %dma_wait3A_83] : memref<10112x64xf32, #tpu.memory_space<hbm>> -> memref<632x64xf32, #tpu.memory_space<hbm>>
      tpu.wait_dma2 semaphore(%run_scoped3A : memref<!tpu.dma_semaphore, #tpu.memory_space<semaphore_mem>>) src(%dma_wait3A_84 : memref<632x64xf32, #tpu.memory_space<hbm>>) dst(%dma_wait3A_82 : memref<632x64xf32, #tpu.memory_space<vmem_shared>>)
      tpu.yield
    }) : () -> ()
    %barrier3A = arith.constant 0 : index
    tpu.barrier barrier_id(%barrier3A)
    %scan3A = arith.constant 0 : i32
    %scan3A_32 = arith.constant 0 : i32
    %scan3A_33 = arith.constant 10 : i32
    %scan3A_34 = arith.addi %scan3A_32, %scan3A_33 : i32
    %scan3A_35 = arith.constant 1 : i32
    scf.for %scan3A_78 = %scan3A_32 to %scan3A_34 step %scan3A_35  : i32 {
      %mul3A_79 = arith.constant 4 : i32
      %mul3A_80 = arith.muli %mul3A_79, %scan3A_78 : i32
      %add3A_81 = arith.constant 0 : i32
      %add3A_82 = arith.addi %mul3A_80, %add3A_81 : i32
      %dma_wait3A = arith.constant 0 : i32
      %dma_wait3A_83 = tpu.memref_slice %arg7[%add3A_82, %dma_wait3A] : memref<40x128xi32, #tpu.memory_space<vmem>> -> memref<1x128xi32, #tpu.memory_space<vmem>>
      %dma_wait3A_84 = tpu.memref_squeeze %dma_wait3A_83 : memref<1x128xi32, #tpu.memory_space<vmem>> -> memref<128xi32, #tpu.memory_space<vmem>>
      %dma_wait3A_85 = arith.constant 0 : i32
      %dma_wait3A_86 = arith.constant 0 : i32
      %dma_wait3A_87 = tpu.memref_slice %arg2[%dma_wait3A_85, %dma_wait3A_86] : memref<10000x64xf32, #tpu.memory_space<hbm>> -> memref<10000x64xf32, #tpu.memory_space<hbm>>
      tpu.wait_indirect_dma semaphore(%arg14 : memref<!tpu.dma_semaphore, #tpu.memory_space<semaphore_mem>>) src(%dma_wait3A_87 : memref<10000x64xf32, #tpu.memory_space<hbm>>) dst(%arg9 : memref<128x64xf32, #tpu.memory_space<vmem>>)
      "tpu.region"() ({
        %run_scoped3A = tpu.sem_alloc : memref<!tpu.dma_semaphore, #tpu.memory_space<semaphore_mem>>
        %dma_start3A_143 = arith.constant 0 : i32
        %dma_start3A_144 = tpu.memref_slice %arg8[%add3A_82, %dma_start3A_143] : memref<40x128xi32, #tpu.memory_space<vmem>> -> memref<1x128xi32, #tpu.memory_space<vmem>>
        %dma_start3A_145 = tpu.memref_squeeze %dma_start3A_144 : memref<1x128xi32, #tpu.memory_space<vmem>> -> memref<128xi32, #tpu.memory_space<vmem>>
        %dma_start3A_146 = arith.constant 0 : i32
        %dma_start3A_147 = arith.constant 0 : i32
        %dma_start3A_148 = tpu.memref_slice %arg13[%dma_start3A_146, %dma_start3A_147] : memref<10112x64xf32, #tpu.memory_space<vmem_shared>> -> memref<10112x64xf32, #tpu.memory_space<vmem_shared>>
        tpu.enqueue_indirect_dma source(%arg9 : memref<128x64xf32, #tpu.memory_space<vmem>>) target(%dma_start3A_148 : memref<10112x64xf32, #tpu.memory_space<vmem_shared>>) offsets(%dma_start3A_145 : memref<128xi32, #tpu.memory_space<vmem>>) semaphore(%run_scoped3A : memref<!tpu.dma_semaphore, #tpu.memory_space<semaphore_mem>>) {add = true}
        %dma_wait3A_149 = arith.constant 0 : i32
        %dma_wait3A_150 = tpu.memref_slice %arg8[%add3A_82, %dma_wait3A_149] : memref<40x128xi32, #tpu.memory_space<vmem>> -> memref<1x128xi32, #tpu.memory_space<vmem>>
        %dma_wait3A_151 = tpu.memref_squeeze %dma_wait3A_150 : memref<1x128xi32, #tpu.memory_space<vmem>> -> memref<128xi32, #tpu.memory_space<vmem>>
        %dma_wait3A_152 = arith.constant 0 : i32
        %dma_wait3A_153 = arith.constant 0 : i32
        %dma_wait3A_154 = tpu.memref_slice %arg13[%dma_wait3A_152, %dma_wait3A_153] : memref<10112x64xf32, #tpu.memory_space<vmem_shared>> -> memref<10112x64xf32, #tpu.memory_space<vmem_shared>>
        tpu.wait_indirect_dma semaphore(%run_scoped3A : memref<!tpu.dma_semaphore, #tpu.memory_space<semaphore_mem>>) src(%arg9 : memref<128x64xf32, #tpu.memory_space<vmem>>) dst(%dma_wait3A_154 : memref<10112x64xf32, #tpu.memory_space<vmem_shared>>)
        tpu.yield
      }) : () -> ()
      %add3A_88 = arith.constant 4 : i32
      %add3A_89 = arith.addi %add3A_82, %add3A_88 : i32
      %lt3A = arith.constant 40 : i32
      %lt3A_90 = arith.cmpi slt, %add3A_89, %lt3A : i32
      %convert_element_type3A = arith.extui %lt3A_90 : i1 to i32
      %cond3A = arith.constant 0 : i32
      %cond3A_91 = arith.cmpi ne, %convert_element_type3A, %cond3A : i32
      scf.if %cond3A_91 {
        %add3A_143 = arith.constant 4 : i32
        %add3A_144 = arith.addi %add3A_82, %add3A_143 : i32
        %dma_start3A_145 = arith.constant 0 : i32
        %dma_start3A_146 = tpu.memref_slice %arg7[%add3A_144, %dma_start3A_145] : memref<40x128xi32, #tpu.memory_space<vmem>> -> memref<1x128xi32, #tpu.memory_space<vmem>>
        %dma_start3A_147 = tpu.memref_squeeze %dma_start3A_146 : memref<1x128xi32, #tpu.memory_space<vmem>> -> memref<128xi32, #tpu.memory_space<vmem>>
        %dma_start3A_148 = arith.constant 0 : i32
        %dma_start3A_149 = arith.constant 0 : i32
        %dma_start3A_150 = tpu.memref_slice %arg2[%dma_start3A_148, %dma_start3A_149] : memref<10000x64xf32, #tpu.memory_space<hbm>> -> memref<10000x64xf32, #tpu.memory_space<hbm>>
        tpu.enqueue_indirect_dma source(%dma_start3A_150 : memref<10000x64xf32, #tpu.memory_space<hbm>>) target(%arg9 : memref<128x64xf32, #tpu.memory_space<vmem>>) offsets(%dma_start3A_147 : memref<128xi32, #tpu.memory_space<vmem>>) semaphore(%arg14 : memref<!tpu.dma_semaphore, #tpu.memory_space<semaphore_mem>>)
      } else {
      }
      %mul3A_92 = arith.constant 4 : i32
      %mul3A_93 = arith.muli %mul3A_92, %scan3A_78 : i32
      %add3A_94 = arith.constant 1 : i32
      %add3A_95 = arith.addi %mul3A_93, %add3A_94 : i32
      %dma_wait3A_96 = arith.constant 0 : i32
      %dma_wait3A_97 = tpu.memref_slice %arg7[%add3A_95, %dma_wait3A_96] : memref<40x128xi32, #tpu.memory_space<vmem>> -> memref<1x128xi32, #tpu.memory_space<vmem>>
      %dma_wait3A_98 = tpu.memref_squeeze %dma_wait3A_97 : memref<1x128xi32, #tpu.memory_space<vmem>> -> memref<128xi32, #tpu.memory_space<vmem>>
      %dma_wait3A_99 = arith.constant 0 : i32
      %dma_wait3A_100 = arith.constant 0 : i32
      %dma_wait3A_101 = tpu.memref_slice %arg2[%dma_wait3A_99, %dma_wait3A_100] : memref<10000x64xf32, #tpu.memory_space<hbm>> -> memref<10000x64xf32, #tpu.memory_space<hbm>>
      tpu.wait_indirect_dma semaphore(%arg15 : memref<!tpu.dma_semaphore, #tpu.memory_space<semaphore_mem>>) src(%dma_wait3A_101 : memref<10000x64xf32, #tpu.memory_space<hbm>>) dst(%arg10 : memref<128x64xf32, #tpu.memory_space<vmem>>)
      "tpu.region"() ({
        %run_scoped3A = tpu.sem_alloc : memref<!tpu.dma_semaphore, #tpu.memory_space<semaphore_mem>>
        %dma_start3A_143 = arith.constant 0 : i32
        %dma_start3A_144 = tpu.memref_slice %arg8[%add3A_95, %dma_start3A_143] : memref<40x128xi32, #tpu.memory_space<vmem>> -> memref<1x128xi32, #tpu.memory_space<vmem>>
        %dma_start3A_145 = tpu.memref_squeeze %dma_start3A_144 : memref<1x128xi32, #tpu.memory_space<vmem>> -> memref<128xi32, #tpu.memory_space<vmem>>
        %dma_start3A_146 = arith.constant 0 : i32
        %dma_start3A_147 = arith.constant 0 : i32
        %dma_start3A_148 = tpu.memref_slice %arg13[%dma_start3A_146, %dma_start3A_147] : memref<10112x64xf32, #tpu.memory_space<vmem_shared>> -> memref<10112x64xf32, #tpu.memory_space<vmem_shared>>
        tpu.enqueue_indirect_dma source(%arg10 : memref<128x64xf32, #tpu.memory_space<vmem>>) target(%dma_start3A_148 : memref<10112x64xf32, #tpu.memory_space<vmem_shared>>) offsets(%dma_start3A_145 : memref<128xi32, #tpu.memory_space<vmem>>) semaphore(%run_scoped3A : memref<!tpu.dma_semaphore, #tpu.memory_space<semaphore_mem>>) {add = true}
        %dma_wait3A_149 = arith.constant 0 : i32
        %dma_wait3A_150 = tpu.memref_slice %arg8[%add3A_95, %dma_wait3A_149] : memref<40x128xi32, #tpu.memory_space<vmem>> -> memref<1x128xi32, #tpu.memory_space<vmem>>
        %dma_wait3A_151 = tpu.memref_squeeze %dma_wait3A_150 : memref<1x128xi32, #tpu.memory_space<vmem>> -> memref<128xi32, #tpu.memory_space<vmem>>
        %dma_wait3A_152 = arith.constant 0 : i32
        %dma_wait3A_153 = arith.constant 0 : i32
        %dma_wait3A_154 = tpu.memref_slice %arg13[%dma_wait3A_152, %dma_wait3A_153] : memref<10112x64xf32, #tpu.memory_space<vmem_shared>> -> memref<10112x64xf32, #tpu.memory_space<vmem_shared>>
        tpu.wait_indirect_dma semaphore(%run_scoped3A : memref<!tpu.dma_semaphore, #tpu.memory_space<semaphore_mem>>) src(%arg10 : memref<128x64xf32, #tpu.memory_space<vmem>>) dst(%dma_wait3A_154 : memref<10112x64xf32, #tpu.memory_space<vmem_shared>>)
        tpu.yield
      }) : () -> ()
      %add3A_102 = arith.constant 4 : i32
      %add3A_103 = arith.addi %add3A_95, %add3A_102 : i32
      %lt3A_104 = arith.constant 40 : i32
      %lt3A_105 = arith.cmpi slt, %add3A_103, %lt3A_104 : i32
      %convert_element_type3A_106 = arith.extui %lt3A_105 : i1 to i32
      %cond3A_107 = arith.constant 0 : i32
      %cond3A_108 = arith.cmpi ne, %convert_element_type3A_106, %cond3A_107 : i32
      scf.if %cond3A_108 {
        %add3A_143 = arith.constant 4 : i32
        %add3A_144 = arith.addi %add3A_95, %add3A_143 : i32
        %dma_start3A_145 = arith.constant 0 : i32
        %dma_start3A_146 = tpu.memref_slice %arg7[%add3A_144, %dma_start3A_145] : memref<40x128xi32, #tpu.memory_space<vmem>> -> memref<1x128xi32, #tpu.memory_space<vmem>>
        %dma_start3A_147 = tpu.memref_squeeze %dma_start3A_146 : memref<1x128xi32, #tpu.memory_space<vmem>> -> memref<128xi32, #tpu.memory_space<vmem>>
        %dma_start3A_148 = arith.constant 0 : i32
        %dma_start3A_149 = arith.constant 0 : i32
        %dma_start3A_150 = tpu.memref_slice %arg2[%dma_start3A_148, %dma_start3A_149] : memref<10000x64xf32, #tpu.memory_space<hbm>> -> memref<10000x64xf32, #tpu.memory_space<hbm>>
        tpu.enqueue_indirect_dma source(%dma_start3A_150 : memref<10000x64xf32, #tpu.memory_space<hbm>>) target(%arg10 : memref<128x64xf32, #tpu.memory_space<vmem>>) offsets(%dma_start3A_147 : memref<128xi32, #tpu.memory_space<vmem>>) semaphore(%arg15 : memref<!tpu.dma_semaphore, #tpu.memory_space<semaphore_mem>>)
      } else {
      }
      %mul3A_109 = arith.constant 4 : i32
      %mul3A_110 = arith.muli %mul3A_109, %scan3A_78 : i32
      %add3A_111 = arith.constant 2 : i32
      %add3A_112 = arith.addi %mul3A_110, %add3A_111 : i32
      %dma_wait3A_113 = arith.constant 0 : i32
      %dma_wait3A_114 = tpu.memref_slice %arg7[%add3A_112, %dma_wait3A_113] : memref<40x128xi32, #tpu.memory_space<vmem>> -> memref<1x128xi32, #tpu.memory_space<vmem>>
      %dma_wait3A_115 = tpu.memref_squeeze %dma_wait3A_114 : memref<1x128xi32, #tpu.memory_space<vmem>> -> memref<128xi32, #tpu.memory_space<vmem>>
      %dma_wait3A_116 = arith.constant 0 : i32
      %dma_wait3A_117 = arith.constant 0 : i32
      %dma_wait3A_118 = tpu.memref_slice %arg2[%dma_wait3A_116, %dma_wait3A_117] : memref<10000x64xf32, #tpu.memory_space<hbm>> -> memref<10000x64xf32, #tpu.memory_space<hbm>>
      tpu.wait_indirect_dma semaphore(%arg16 : memref<!tpu.dma_semaphore, #tpu.memory_space<semaphore_mem>>) src(%dma_wait3A_118 : memref<10000x64xf32, #tpu.memory_space<hbm>>) dst(%arg11 : memref<128x64xf32, #tpu.memory_space<vmem>>)
      "tpu.region"() ({
        %run_scoped3A = tpu.sem_alloc : memref<!tpu.dma_semaphore, #tpu.memory_space<semaphore_mem>>
        %dma_start3A_143 = arith.constant 0 : i32
        %dma_start3A_144 = tpu.memref_slice %arg8[%add3A_112, %dma_start3A_143] : memref<40x128xi32, #tpu.memory_space<vmem>> -> memref<1x128xi32, #tpu.memory_space<vmem>>
        %dma_start3A_145 = tpu.memref_squeeze %dma_start3A_144 : memref<1x128xi32, #tpu.memory_space<vmem>> -> memref<128xi32, #tpu.memory_space<vmem>>
        %dma_start3A_146 = arith.constant 0 : i32
        %dma_start3A_147 = arith.constant 0 : i32
        %dma_start3A_148 = tpu.memref_slice %arg13[%dma_start3A_146, %dma_start3A_147] : memref<10112x64xf32, #tpu.memory_space<vmem_shared>> -> memref<10112x64xf32, #tpu.memory_space<vmem_shared>>
        tpu.enqueue_indirect_dma source(%arg11 : memref<128x64xf32, #tpu.memory_space<vmem>>) target(%dma_start3A_148 : memref<10112x64xf32, #tpu.memory_space<vmem_shared>>) offsets(%dma_start3A_145 : memref<128xi32, #tpu.memory_space<vmem>>) semaphore(%run_scoped3A : memref<!tpu.dma_semaphore, #tpu.memory_space<semaphore_mem>>) {add = true}
        %dma_wait3A_149 = arith.constant 0 : i32
        %dma_wait3A_150 = tpu.memref_slice %arg8[%add3A_112, %dma_wait3A_149] : memref<40x128xi32, #tpu.memory_space<vmem>> -> memref<1x128xi32, #tpu.memory_space<vmem>>
        %dma_wait3A_151 = tpu.memref_squeeze %dma_wait3A_150 : memref<1x128xi32, #tpu.memory_space<vmem>> -> memref<128xi32, #tpu.memory_space<vmem>>
        %dma_wait3A_152 = arith.constant 0 : i32
        %dma_wait3A_153 = arith.constant 0 : i32
        %dma_wait3A_154 = tpu.memref_slice %arg13[%dma_wait3A_152, %dma_wait3A_153] : memref<10112x64xf32, #tpu.memory_space<vmem_shared>> -> memref<10112x64xf32, #tpu.memory_space<vmem_shared>>
        tpu.wait_indirect_dma semaphore(%run_scoped3A : memref<!tpu.dma_semaphore, #tpu.memory_space<semaphore_mem>>) src(%arg11 : memref<128x64xf32, #tpu.memory_space<vmem>>) dst(%dma_wait3A_154 : memref<10112x64xf32, #tpu.memory_space<vmem_shared>>)
        tpu.yield
      }) : () -> ()
      %add3A_119 = arith.constant 4 : i32
      %add3A_120 = arith.addi %add3A_112, %add3A_119 : i32
      %lt3A_121 = arith.constant 40 : i32
      %lt3A_122 = arith.cmpi slt, %add3A_120, %lt3A_121 : i32
      %convert_element_type3A_123 = arith.extui %lt3A_122 : i1 to i32
      %cond3A_124 = arith.constant 0 : i32
      %cond3A_125 = arith.cmpi ne, %convert_element_type3A_123, %cond3A_124 : i32
      scf.if %cond3A_125 {
        %add3A_143 = arith.constant 4 : i32
        %add3A_144 = arith.addi %add3A_112, %add3A_143 : i32
        %dma_start3A_145 = arith.constant 0 : i32
        %dma_start3A_146 = tpu.memref_slice %arg7[%add3A_144, %dma_start3A_145] : memref<40x128xi32, #tpu.memory_space<vmem>> -> memref<1x128xi32, #tpu.memory_space<vmem>>
        %dma_start3A_147 = tpu.memref_squeeze %dma_start3A_146 : memref<1x128xi32, #tpu.memory_space<vmem>> -> memref<128xi32, #tpu.memory_space<vmem>>
        %dma_start3A_148 = arith.constant 0 : i32
        %dma_start3A_149 = arith.constant 0 : i32
        %dma_start3A_150 = tpu.memref_slice %arg2[%dma_start3A_148, %dma_start3A_149] : memref<10000x64xf32, #tpu.memory_space<hbm>> -> memref<10000x64xf32, #tpu.memory_space<hbm>>
        tpu.enqueue_indirect_dma source(%dma_start3A_150 : memref<10000x64xf32, #tpu.memory_space<hbm>>) target(%arg11 : memref<128x64xf32, #tpu.memory_space<vmem>>) offsets(%dma_start3A_147 : memref<128xi32, #tpu.memory_space<vmem>>) semaphore(%arg16 : memref<!tpu.dma_semaphore, #tpu.memory_space<semaphore_mem>>)
      } else {
      }
      %mul3A_126 = arith.constant 4 : i32
      %mul3A_127 = arith.muli %mul3A_126, %scan3A_78 : i32
      %add3A_128 = arith.constant 3 : i32
      %add3A_129 = arith.addi %mul3A_127, %add3A_128 : i32
      %dma_wait3A_130 = arith.constant 0 : i32
      %dma_wait3A_131 = tpu.memref_slice %arg7[%add3A_129, %dma_wait3A_130] : memref<40x128xi32, #tpu.memory_space<vmem>> -> memref<1x128xi32, #tpu.memory_space<vmem>>
      %dma_wait3A_132 = tpu.memref_squeeze %dma_wait3A_131 : memref<1x128xi32, #tpu.memory_space<vmem>> -> memref<128xi32, #tpu.memory_space<vmem>>
      %dma_wait3A_133 = arith.constant 0 : i32
      %dma_wait3A_134 = arith.constant 0 : i32
      %dma_wait3A_135 = tpu.memref_slice %arg2[%dma_wait3A_133, %dma_wait3A_134] : memref<10000x64xf32, #tpu.memory_space<hbm>> -> memref<10000x64xf32, #tpu.memory_space<hbm>>
      tpu.wait_indirect_dma semaphore(%arg17 : memref<!tpu.dma_semaphore, #tpu.memory_space<semaphore_mem>>) src(%dma_wait3A_135 : memref<10000x64xf32, #tpu.memory_space<hbm>>) dst(%arg12 : memref<128x64xf32, #tpu.memory_space<vmem>>)
      "tpu.region"() ({
        %run_scoped3A = tpu.sem_alloc : memref<!tpu.dma_semaphore, #tpu.memory_space<semaphore_mem>>
        %dma_start3A_143 = arith.constant 0 : i32
        %dma_start3A_144 = tpu.memref_slice %arg8[%add3A_129, %dma_start3A_143] : memref<40x128xi32, #tpu.memory_space<vmem>> -> memref<1x128xi32, #tpu.memory_space<vmem>>
        %dma_start3A_145 = tpu.memref_squeeze %dma_start3A_144 : memref<1x128xi32, #tpu.memory_space<vmem>> -> memref<128xi32, #tpu.memory_space<vmem>>
        %dma_start3A_146 = arith.constant 0 : i32
        %dma_start3A_147 = arith.constant 0 : i32
        %dma_start3A_148 = tpu.memref_slice %arg13[%dma_start3A_146, %dma_start3A_147] : memref<10112x64xf32, #tpu.memory_space<vmem_shared>> -> memref<10112x64xf32, #tpu.memory_space<vmem_shared>>
        tpu.enqueue_indirect_dma source(%arg12 : memref<128x64xf32, #tpu.memory_space<vmem>>) target(%dma_start3A_148 : memref<10112x64xf32, #tpu.memory_space<vmem_shared>>) offsets(%dma_start3A_145 : memref<128xi32, #tpu.memory_space<vmem>>) semaphore(%run_scoped3A : memref<!tpu.dma_semaphore, #tpu.memory_space<semaphore_mem>>) {add = true}
        %dma_wait3A_149 = arith.constant 0 : i32
        %dma_wait3A_150 = tpu.memref_slice %arg8[%add3A_129, %dma_wait3A_149] : memref<40x128xi32, #tpu.memory_space<vmem>> -> memref<1x128xi32, #tpu.memory_space<vmem>>
        %dma_wait3A_151 = tpu.memref_squeeze %dma_wait3A_150 : memref<1x128xi32, #tpu.memory_space<vmem>> -> memref<128xi32, #tpu.memory_space<vmem>>
        %dma_wait3A_152 = arith.constant 0 : i32
        %dma_wait3A_153 = arith.constant 0 : i32
        %dma_wait3A_154 = tpu.memref_slice %arg13[%dma_wait3A_152, %dma_wait3A_153] : memref<10112x64xf32, #tpu.memory_space<vmem_shared>> -> memref<10112x64xf32, #tpu.memory_space<vmem_shared>>
        tpu.wait_indirect_dma semaphore(%run_scoped3A : memref<!tpu.dma_semaphore, #tpu.memory_space<semaphore_mem>>) src(%arg12 : memref<128x64xf32, #tpu.memory_space<vmem>>) dst(%dma_wait3A_154 : memref<10112x64xf32, #tpu.memory_space<vmem_shared>>)
        tpu.yield
      }) : () -> ()
      %add3A_136 = arith.constant 4 : i32
      %add3A_137 = arith.addi %add3A_129, %add3A_136 : i32
      %lt3A_138 = arith.constant 40 : i32
      %lt3A_139 = arith.cmpi slt, %add3A_137, %lt3A_138 : i32
      %convert_element_type3A_140 = arith.extui %lt3A_139 : i1 to i32
      %cond3A_141 = arith.constant 0 : i32
      %cond3A_142 = arith.cmpi ne, %convert_element_type3A_140, %cond3A_141 : i32
      scf.if %cond3A_142 {
        %add3A_143 = arith.constant 4 : i32
        %add3A_144 = arith.addi %add3A_129, %add3A_143 : i32
        %dma_start3A_145 = arith.constant 0 : i32
        %dma_start3A_146 = tpu.memref_slice %arg7[%add3A_144, %dma_start3A_145] : memref<40x128xi32, #tpu.memory_space<vmem>> -> memref<1x128xi32, #tpu.memory_space<vmem>>
        %dma_start3A_147 = tpu.memref_squeeze %dma_start3A_146 : memref<1x128xi32, #tpu.memory_space<vmem>> -> memref<128xi32, #tpu.memory_space<vmem>>
        %dma_start3A_148 = arith.constant 0 : i32
        %dma_start3A_149 = arith.constant 0 : i32
        %dma_start3A_150 = tpu.memref_slice %arg2[%dma_start3A_148, %dma_start3A_149] : memref<10000x64xf32, #tpu.memory_space<hbm>> -> memref<10000x64xf32, #tpu.memory_space<hbm>>
        tpu.enqueue_indirect_dma source(%dma_start3A_150 : memref<10000x64xf32, #tpu.memory_space<hbm>>) target(%arg12 : memref<128x64xf32, #tpu.memory_space<vmem>>) offsets(%dma_start3A_147 : memref<128xi32, #tpu.memory_space<vmem>>) semaphore(%arg17 : memref<!tpu.dma_semaphore, #tpu.memory_space<semaphore_mem>>)
      } else {
      }
    }
    %scan3A_36 = arith.constant 10 : i32
    %mul3A_37 = arith.constant 80 : i32
    %mul3A_38 = arith.muli %add3A, %mul3A_37 : i32
    %add3A_39 = arith.constant 40 : i32
    %add3A_40 = arith.addi %mul3A_38, %add3A_39 : i32
    "tpu.region"() ({
      %run_scoped3A = tpu.sem_alloc : memref<!tpu.dma_semaphore, #tpu.memory_space<semaphore_mem>>
      %dma_start3A_78 = arith.constant 0 : i32
      %dma_start3A_79 = tpu.memref_slice %arg3[%add3A_40, %dma_start3A_78] : memref<2560x128xi32, #tpu.memory_space<hbm>> -> memref<40x128xi32, #tpu.memory_space<hbm>>
      %dma_start3A_80 = arith.constant 0 : i32
      %dma_start3A_81 = tpu.memref_slice %arg3[%add3A_40, %dma_start3A_80] : memref<2560x128xi32, #tpu.memory_space<hbm>> -> memref<40x128xi32, #tpu.memory_space<hbm>>
      tpu.enqueue_dma source(%dma_start3A_81 : memref<40x128xi32, #tpu.memory_space<hbm>>) target(%arg7 : memref<40x128xi32, #tpu.memory_space<vmem>>) target_semaphore(%run_scoped3A : memref<!tpu.dma_semaphore, #tpu.memory_space<semaphore_mem>>)
      %dma_wait3A = arith.constant 0 : i32
      %dma_wait3A_82 = tpu.memref_slice %arg3[%add3A_40, %dma_wait3A] : memref<2560x128xi32, #tpu.memory_space<hbm>> -> memref<40x128xi32, #tpu.memory_space<hbm>>
      %dma_wait3A_83 = arith.constant 0 : i32
      %dma_wait3A_84 = tpu.memref_slice %arg3[%add3A_40, %dma_wait3A_83] : memref<2560x128xi32, #tpu.memory_space<hbm>> -> memref<40x128xi32, #tpu.memory_space<hbm>>
      tpu.wait_dma2 semaphore(%run_scoped3A : memref<!tpu.dma_semaphore, #tpu.memory_space<semaphore_mem>>) src(%dma_wait3A_84 : memref<40x128xi32, #tpu.memory_space<hbm>>) dst(%arg7 : memref<40x128xi32, #tpu.memory_space<vmem>>)
      tpu.yield
    }) : () -> ()
    "tpu.region"() ({
      %run_scoped3A = tpu.sem_alloc : memref<!tpu.dma_semaphore, #tpu.memory_space<semaphore_mem>>
      %dma_start3A_78 = arith.constant 0 : i32
      %dma_start3A_79 = tpu.memref_slice %arg4[%add3A_40, %dma_start3A_78] : memref<2560x128xi32, #tpu.memory_space<hbm>> -> memref<40x128xi32, #tpu.memory_space<hbm>>
      %dma_start3A_80 = arith.constant 0 : i32
      %dma_start3A_81 = tpu.memref_slice %arg4[%add3A_40, %dma_start3A_80] : memref<2560x128xi32, #tpu.memory_space<hbm>> -> memref<40x128xi32, #tpu.memory_space<hbm>>
      tpu.enqueue_dma source(%dma_start3A_81 : memref<40x128xi32, #tpu.memory_space<hbm>>) target(%arg8 : memref<40x128xi32, #tpu.memory_space<vmem>>) target_semaphore(%run_scoped3A : memref<!tpu.dma_semaphore, #tpu.memory_space<semaphore_mem>>)
      %dma_wait3A = arith.constant 0 : i32
      %dma_wait3A_82 = tpu.memref_slice %arg4[%add3A_40, %dma_wait3A] : memref<2560x128xi32, #tpu.memory_space<hbm>> -> memref<40x128xi32, #tpu.memory_space<hbm>>
      %dma_wait3A_83 = arith.constant 0 : i32
      %dma_wait3A_84 = tpu.memref_slice %arg4[%add3A_40, %dma_wait3A_83] : memref<2560x128xi32, #tpu.memory_space<hbm>> -> memref<40x128xi32, #tpu.memory_space<hbm>>
      tpu.wait_dma2 semaphore(%run_scoped3A : memref<!tpu.dma_semaphore, #tpu.memory_space<semaphore_mem>>) src(%dma_wait3A_84 : memref<40x128xi32, #tpu.memory_space<hbm>>) dst(%arg8 : memref<40x128xi32, #tpu.memory_space<vmem>>)
      tpu.yield
    }) : () -> ()
    %dma_start3A_41 = arith.constant 0 : i32
    %dma_start3A_42 = arith.constant 0 : i32
    %dma_start3A_43 = tpu.memref_slice %arg7[%dma_start3A_41, %dma_start3A_42] : memref<40x128xi32, #tpu.memory_space<vmem>> -> memref<1x128xi32, #tpu.memory_space<vmem>>
    %dma_start3A_44 = tpu.memref_squeeze %dma_start3A_43 : memref<1x128xi32, #tpu.memory_space<vmem>> -> memref<128xi32, #tpu.memory_space<vmem>>
    %dma_start3A_45 = arith.constant 0 : i32
    %dma_start3A_46 = arith.constant 0 : i32
    %dma_start3A_47 = tpu.memref_slice %arg2[%dma_start3A_45, %dma_start3A_46] : memref<10000x64xf32, #tpu.memory_space<hbm>> -> memref<10000x64xf32, #tpu.memory_space<hbm>>
    tpu.enqueue_indirect_dma source(%dma_start3A_47 : memref<10000x64xf32, #tpu.memory_space<hbm>>) target(%arg9 : memref<128x64xf32, #tpu.memory_space<vmem>>) offsets(%dma_start3A_44 : memref<128xi32, #tpu.memory_space<vmem>>) semaphore(%arg14 : memref<!tpu.dma_semaphore, #tpu.memory_space<semaphore_mem>>)
    %dma_start3A_48 = arith.constant 1 : i32
    %dma_start3A_49 = arith.constant 0 : i32
    %dma_start3A_50 = tpu.memref_slice %arg7[%dma_start3A_48, %dma_start3A_49] : memref<40x128xi32, #tpu.memory_space<vmem>> -> memref<1x128xi32, #tpu.memory_space<vmem>>
    %dma_start3A_51 = tpu.memref_squeeze %dma_start3A_50 : memref<1x128xi32, #tpu.memory_space<vmem>> -> memref<128xi32, #tpu.memory_space<vmem>>
    %dma_start3A_52 = arith.constant 0 : i32
    %dma_start3A_53 = arith.constant 0 : i32
    %dma_start3A_54 = tpu.memref_slice %arg2[%dma_start3A_52, %dma_start3A_53] : memref<10000x64xf32, #tpu.memory_space<hbm>> -> memref<10000x64xf32, #tpu.memory_space<hbm>>
    tpu.enqueue_indirect_dma source(%dma_start3A_54 : memref<10000x64xf32, #tpu.memory_space<hbm>>) target(%arg10 : memref<128x64xf32, #tpu.memory_space<vmem>>) offsets(%dma_start3A_51 : memref<128xi32, #tpu.memory_space<vmem>>) semaphore(%arg15 : memref<!tpu.dma_semaphore, #tpu.memory_space<semaphore_mem>>)
    %dma_start3A_55 = arith.constant 2 : i32
    %dma_start3A_56 = arith.constant 0 : i32
    %dma_start3A_57 = tpu.memref_slice %arg7[%dma_start3A_55, %dma_start3A_56] : memref<40x128xi32, #tpu.memory_space<vmem>> -> memref<1x128xi32, #tpu.memory_space<vmem>>
    %dma_start3A_58 = tpu.memref_squeeze %dma_start3A_57 : memref<1x128xi32, #tpu.memory_space<vmem>> -> memref<128xi32, #tpu.memory_space<vmem>>
    %dma_start3A_59 = arith.constant 0 : i32
    %dma_start3A_60 = arith.constant 0 : i32
    %dma_start3A_61 = tpu.memref_slice %arg2[%dma_start3A_59, %dma_start3A_60] : memref<10000x64xf32, #tpu.memory_space<hbm>> -> memref<10000x64xf32, #tpu.memory_space<hbm>>
    tpu.enqueue_indirect_dma source(%dma_start3A_61 : memref<10000x64xf32, #tpu.memory_space<hbm>>) target(%arg11 : memref<128x64xf32, #tpu.memory_space<vmem>>) offsets(%dma_start3A_58 : memref<128xi32, #tpu.memory_space<vmem>>) semaphore(%arg16 : memref<!tpu.dma_semaphore, #tpu.memory_space<semaphore_mem>>)
    %dma_start3A_62 = arith.constant 3 : i32
    %dma_start3A_63 = arith.constant 0 : i32
    %dma_start3A_64 = tpu.memref_slice %arg7[%dma_start3A_62, %dma_start3A_63] : memref<40x128xi32, #tpu.memory_space<vmem>> -> memref<1x128xi32, #tpu.memory_space<vmem>>
    %dma_start3A_65 = tpu.memref_squeeze %dma_start3A_64 : memref<1x128xi32, #tpu.memory_space<vmem>> -> memref<128xi32, #tpu.memory_space<vmem>>
    %dma_start3A_66 = arith.constant 0 : i32
    %dma_start3A_67 = arith.constant 0 : i32
    %dma_start3A_68 = tpu.memref_slice %arg2[%dma_start3A_66, %dma_start3A_67] : memref<10000x64xf32, #tpu.memory_space<hbm>> -> memref<10000x64xf32, #tpu.memory_space<hbm>>
    tpu.enqueue_indirect_dma source(%dma_start3A_68 : memref<10000x64xf32, #tpu.memory_space<hbm>>) target(%arg12 : memref<128x64xf32, #tpu.memory_space<vmem>>) offsets(%dma_start3A_65 : memref<128xi32, #tpu.memory_space<vmem>>) semaphore(%arg17 : memref<!tpu.dma_semaphore, #tpu.memory_space<semaphore_mem>>)
    %scan3A_69 = arith.constant 0 : i32
    %scan3A_70 = arith.constant 0 : i32
    %scan3A_71 = arith.constant 10 : i32
    %scan3A_72 = arith.addi %scan3A_70, %scan3A_71 : i32
    %scan3A_73 = arith.constant 1 : i32
    scf.for %scan3A_78 = %scan3A_70 to %scan3A_72 step %scan3A_73  : i32 {
      %mul3A_79 = arith.constant 4 : i32
      %mul3A_80 = arith.muli %mul3A_79, %scan3A_78 : i32
      %add3A_81 = arith.constant 0 : i32
      %add3A_82 = arith.addi %mul3A_80, %add3A_81 : i32
      %dma_wait3A = arith.constant 0 : i32
      %dma_wait3A_83 = tpu.memref_slice %arg7[%add3A_82, %dma_wait3A] : memref<40x128xi32, #tpu.memory_space<vmem>> -> memref<1x128xi32, #tpu.memory_space<vmem>>
      %dma_wait3A_84 = tpu.memref_squeeze %dma_wait3A_83 : memref<1x128xi32, #tpu.memory_space<vmem>> -> memref<128xi32, #tpu.memory_space<vmem>>
      %dma_wait3A_85 = arith.constant 0 : i32
      %dma_wait3A_86 = arith.constant 0 : i32
      %dma_wait3A_87 = tpu.memref_slice %arg2[%dma_wait3A_85, %dma_wait3A_86] : memref<10000x64xf32, #tpu.memory_space<hbm>> -> memref<10000x64xf32, #tpu.memory_space<hbm>>
      tpu.wait_indirect_dma semaphore(%arg14 : memref<!tpu.dma_semaphore, #tpu.memory_space<semaphore_mem>>) src(%dma_wait3A_87 : memref<10000x64xf32, #tpu.memory_space<hbm>>) dst(%arg9 : memref<128x64xf32, #tpu.memory_space<vmem>>)
      "tpu.region"() ({
        %run_scoped3A = tpu.sem_alloc : memref<!tpu.dma_semaphore, #tpu.memory_space<semaphore_mem>>
        %dma_start3A_143 = arith.constant 0 : i32
        %dma_start3A_144 = tpu.memref_slice %arg8[%add3A_82, %dma_start3A_143] : memref<40x128xi32, #tpu.memory_space<vmem>> -> memref<1x128xi32, #tpu.memory_space<vmem>>
        %dma_start3A_145 = tpu.memref_squeeze %dma_start3A_144 : memref<1x128xi32, #tpu.memory_space<vmem>> -> memref<128xi32, #tpu.memory_space<vmem>>
        %dma_start3A_146 = arith.constant 0 : i32
        %dma_start3A_147 = arith.constant 0 : i32
        %dma_start3A_148 = tpu.memref_slice %arg13[%dma_start3A_146, %dma_start3A_147] : memref<10112x64xf32, #tpu.memory_space<vmem_shared>> -> memref<10112x64xf32, #tpu.memory_space<vmem_shared>>
        tpu.enqueue_indirect_dma source(%arg9 : memref<128x64xf32, #tpu.memory_space<vmem>>) target(%dma_start3A_148 : memref<10112x64xf32, #tpu.memory_space<vmem_shared>>) offsets(%dma_start3A_145 : memref<128xi32, #tpu.memory_space<vmem>>) semaphore(%run_scoped3A : memref<!tpu.dma_semaphore, #tpu.memory_space<semaphore_mem>>) {add = true}
        %dma_wait3A_149 = arith.constant 0 : i32
        %dma_wait3A_150 = tpu.memref_slice %arg8[%add3A_82, %dma_wait3A_149] : memref<40x128xi32, #tpu.memory_space<vmem>> -> memref<1x128xi32, #tpu.memory_space<vmem>>
        %dma_wait3A_151 = tpu.memref_squeeze %dma_wait3A_150 : memref<1x128xi32, #tpu.memory_space<vmem>> -> memref<128xi32, #tpu.memory_space<vmem>>
        %dma_wait3A_152 = arith.constant 0 : i32
        %dma_wait3A_153 = arith.constant 0 : i32
        %dma_wait3A_154 = tpu.memref_slice %arg13[%dma_wait3A_152, %dma_wait3A_153] : memref<10112x64xf32, #tpu.memory_space<vmem_shared>> -> memref<10112x64xf32, #tpu.memory_space<vmem_shared>>
        tpu.wait_indirect_dma semaphore(%run_scoped3A : memref<!tpu.dma_semaphore, #tpu.memory_space<semaphore_mem>>) src(%arg9 : memref<128x64xf32, #tpu.memory_space<vmem>>) dst(%dma_wait3A_154 : memref<10112x64xf32, #tpu.memory_space<vmem_shared>>)
        tpu.yield
      }) : () -> ()
      %add3A_88 = arith.constant 4 : i32
      %add3A_89 = arith.addi %add3A_82, %add3A_88 : i32
      %lt3A = arith.constant 40 : i32
      %lt3A_90 = arith.cmpi slt, %add3A_89, %lt3A : i32
      %convert_element_type3A = arith.extui %lt3A_90 : i1 to i32
      %cond3A = arith.constant 0 : i32
      %cond3A_91 = arith.cmpi ne, %convert_element_type3A, %cond3A : i32
      scf.if %cond3A_91 {
        %add3A_143 = arith.constant 4 : i32
        %add3A_144 = arith.addi %add3A_82, %add3A_143 : i32
        %dma_start3A_145 = arith.constant 0 : i32
        %dma_start3A_146 = tpu.memref_slice %arg7[%add3A_144, %dma_start3A_145] : memref<40x128xi32, #tpu.memory_space<vmem>> -> memref<1x128xi32, #tpu.memory_space<vmem>>
        %dma_start3A_147 = tpu.memref_squeeze %dma_start3A_146 : memref<1x128xi32, #tpu.memory_space<vmem>> -> memref<128xi32, #tpu.memory_space<vmem>>
        %dma_start3A_148 = arith.constant 0 : i32
        %dma_start3A_149 = arith.constant 0 : i32
        %dma_start3A_150 = tpu.memref_slice %arg2[%dma_start3A_148, %dma_start3A_149] : memref<10000x64xf32, #tpu.memory_space<hbm>> -> memref<10000x64xf32, #tpu.memory_space<hbm>>
        tpu.enqueue_indirect_dma source(%dma_start3A_150 : memref<10000x64xf32, #tpu.memory_space<hbm>>) target(%arg9 : memref<128x64xf32, #tpu.memory_space<vmem>>) offsets(%dma_start3A_147 : memref<128xi32, #tpu.memory_space<vmem>>) semaphore(%arg14 : memref<!tpu.dma_semaphore, #tpu.memory_space<semaphore_mem>>)
      } else {
      }
      %mul3A_92 = arith.constant 4 : i32
      %mul3A_93 = arith.muli %mul3A_92, %scan3A_78 : i32
      %add3A_94 = arith.constant 1 : i32
      %add3A_95 = arith.addi %mul3A_93, %add3A_94 : i32
      %dma_wait3A_96 = arith.constant 0 : i32
      %dma_wait3A_97 = tpu.memref_slice %arg7[%add3A_95, %dma_wait3A_96] : memref<40x128xi32, #tpu.memory_space<vmem>> -> memref<1x128xi32, #tpu.memory_space<vmem>>
      %dma_wait3A_98 = tpu.memref_squeeze %dma_wait3A_97 : memref<1x128xi32, #tpu.memory_space<vmem>> -> memref<128xi32, #tpu.memory_space<vmem>>
      %dma_wait3A_99 = arith.constant 0 : i32
      %dma_wait3A_100 = arith.constant 0 : i32
      %dma_wait3A_101 = tpu.memref_slice %arg2[%dma_wait3A_99, %dma_wait3A_100] : memref<10000x64xf32, #tpu.memory_space<hbm>> -> memref<10000x64xf32, #tpu.memory_space<hbm>>
      tpu.wait_indirect_dma semaphore(%arg15 : memref<!tpu.dma_semaphore, #tpu.memory_space<semaphore_mem>>) src(%dma_wait3A_101 : memref<10000x64xf32, #tpu.memory_space<hbm>>) dst(%arg10 : memref<128x64xf32, #tpu.memory_space<vmem>>)
      "tpu.region"() ({
        %run_scoped3A = tpu.sem_alloc : memref<!tpu.dma_semaphore, #tpu.memory_space<semaphore_mem>>
        %dma_start3A_143 = arith.constant 0 : i32
        %dma_start3A_144 = tpu.memref_slice %arg8[%add3A_95, %dma_start3A_143] : memref<40x128xi32, #tpu.memory_space<vmem>> -> memref<1x128xi32, #tpu.memory_space<vmem>>
        %dma_start3A_145 = tpu.memref_squeeze %dma_start3A_144 : memref<1x128xi32, #tpu.memory_space<vmem>> -> memref<128xi32, #tpu.memory_space<vmem>>
        %dma_start3A_146 = arith.constant 0 : i32
        %dma_start3A_147 = arith.constant 0 : i32
        %dma_start3A_148 = tpu.memref_slice %arg13[%dma_start3A_146, %dma_start3A_147] : memref<10112x64xf32, #tpu.memory_space<vmem_shared>> -> memref<10112x64xf32, #tpu.memory_space<vmem_shared>>
        tpu.enqueue_indirect_dma source(%arg10 : memref<128x64xf32, #tpu.memory_space<vmem>>) target(%dma_start3A_148 : memref<10112x64xf32, #tpu.memory_space<vmem_shared>>) offsets(%dma_start3A_145 : memref<128xi32, #tpu.memory_space<vmem>>) semaphore(%run_scoped3A : memref<!tpu.dma_semaphore, #tpu.memory_space<semaphore_mem>>) {add = true}
        %dma_wait3A_149 = arith.constant 0 : i32
        %dma_wait3A_150 = tpu.memref_slice %arg8[%add3A_95, %dma_wait3A_149] : memref<40x128xi32, #tpu.memory_space<vmem>> -> memref<1x128xi32, #tpu.memory_space<vmem>>
        %dma_wait3A_151 = tpu.memref_squeeze %dma_wait3A_150 : memref<1x128xi32, #tpu.memory_space<vmem>> -> memref<128xi32, #tpu.memory_space<vmem>>
        %dma_wait3A_152 = arith.constant 0 : i32
        %dma_wait3A_153 = arith.constant 0 : i32
        %dma_wait3A_154 = tpu.memref_slice %arg13[%dma_wait3A_152, %dma_wait3A_153] : memref<10112x64xf32, #tpu.memory_space<vmem_shared>> -> memref<10112x64xf32, #tpu.memory_space<vmem_shared>>
        tpu.wait_indirect_dma semaphore(%run_scoped3A : memref<!tpu.dma_semaphore, #tpu.memory_space<semaphore_mem>>) src(%arg10 : memref<128x64xf32, #tpu.memory_space<vmem>>) dst(%dma_wait3A_154 : memref<10112x64xf32, #tpu.memory_space<vmem_shared>>)
        tpu.yield
      }) : () -> ()
      %add3A_102 = arith.constant 4 : i32
      %add3A_103 = arith.addi %add3A_95, %add3A_102 : i32
      %lt3A_104 = arith.constant 40 : i32
      %lt3A_105 = arith.cmpi slt, %add3A_103, %lt3A_104 : i32
      %convert_element_type3A_106 = arith.extui %lt3A_105 : i1 to i32
      %cond3A_107 = arith.constant 0 : i32
      %cond3A_108 = arith.cmpi ne, %convert_element_type3A_106, %cond3A_107 : i32
      scf.if %cond3A_108 {
        %add3A_143 = arith.constant 4 : i32
        %add3A_144 = arith.addi %add3A_95, %add3A_143 : i32
        %dma_start3A_145 = arith.constant 0 : i32
        %dma_start3A_146 = tpu.memref_slice %arg7[%add3A_144, %dma_start3A_145] : memref<40x128xi32, #tpu.memory_space<vmem>> -> memref<1x128xi32, #tpu.memory_space<vmem>>
        %dma_start3A_147 = tpu.memref_squeeze %dma_start3A_146 : memref<1x128xi32, #tpu.memory_space<vmem>> -> memref<128xi32, #tpu.memory_space<vmem>>
        %dma_start3A_148 = arith.constant 0 : i32
        %dma_start3A_149 = arith.constant 0 : i32
        %dma_start3A_150 = tpu.memref_slice %arg2[%dma_start3A_148, %dma_start3A_149] : memref<10000x64xf32, #tpu.memory_space<hbm>> -> memref<10000x64xf32, #tpu.memory_space<hbm>>
        tpu.enqueue_indirect_dma source(%dma_start3A_150 : memref<10000x64xf32, #tpu.memory_space<hbm>>) target(%arg10 : memref<128x64xf32, #tpu.memory_space<vmem>>) offsets(%dma_start3A_147 : memref<128xi32, #tpu.memory_space<vmem>>) semaphore(%arg15 : memref<!tpu.dma_semaphore, #tpu.memory_space<semaphore_mem>>)
      } else {
      }
      %mul3A_109 = arith.constant 4 : i32
      %mul3A_110 = arith.muli %mul3A_109, %scan3A_78 : i32
      %add3A_111 = arith.constant 2 : i32
      %add3A_112 = arith.addi %mul3A_110, %add3A_111 : i32
      %dma_wait3A_113 = arith.constant 0 : i32
      %dma_wait3A_114 = tpu.memref_slice %arg7[%add3A_112, %dma_wait3A_113] : memref<40x128xi32, #tpu.memory_space<vmem>> -> memref<1x128xi32, #tpu.memory_space<vmem>>
      %dma_wait3A_115 = tpu.memref_squeeze %dma_wait3A_114 : memref<1x128xi32, #tpu.memory_space<vmem>> -> memref<128xi32, #tpu.memory_space<vmem>>
      %dma_wait3A_116 = arith.constant 0 : i32
      %dma_wait3A_117 = arith.constant 0 : i32
      %dma_wait3A_118 = tpu.memref_slice %arg2[%dma_wait3A_116, %dma_wait3A_117] : memref<10000x64xf32, #tpu.memory_space<hbm>> -> memref<10000x64xf32, #tpu.memory_space<hbm>>
      tpu.wait_indirect_dma semaphore(%arg16 : memref<!tpu.dma_semaphore, #tpu.memory_space<semaphore_mem>>) src(%dma_wait3A_118 : memref<10000x64xf32, #tpu.memory_space<hbm>>) dst(%arg11 : memref<128x64xf32, #tpu.memory_space<vmem>>)
      "tpu.region"() ({
        %run_scoped3A = tpu.sem_alloc : memref<!tpu.dma_semaphore, #tpu.memory_space<semaphore_mem>>
        %dma_start3A_143 = arith.constant 0 : i32
        %dma_start3A_144 = tpu.memref_slice %arg8[%add3A_112, %dma_start3A_143] : memref<40x128xi32, #tpu.memory_space<vmem>> -> memref<1x128xi32, #tpu.memory_space<vmem>>
        %dma_start3A_145 = tpu.memref_squeeze %dma_start3A_144 : memref<1x128xi32, #tpu.memory_space<vmem>> -> memref<128xi32, #tpu.memory_space<vmem>>
        %dma_start3A_146 = arith.constant 0 : i32
        %dma_start3A_147 = arith.constant 0 : i32
        %dma_start3A_148 = tpu.memref_slice %arg13[%dma_start3A_146, %dma_start3A_147] : memref<10112x64xf32, #tpu.memory_space<vmem_shared>> -> memref<10112x64xf32, #tpu.memory_space<vmem_shared>>
        tpu.enqueue_indirect_dma source(%arg11 : memref<128x64xf32, #tpu.memory_space<vmem>>) target(%dma_start3A_148 : memref<10112x64xf32, #tpu.memory_space<vmem_shared>>) offsets(%dma_start3A_145 : memref<128xi32, #tpu.memory_space<vmem>>) semaphore(%run_scoped3A : memref<!tpu.dma_semaphore, #tpu.memory_space<semaphore_mem>>) {add = true}
        %dma_wait3A_149 = arith.constant 0 : i32
        %dma_wait3A_150 = tpu.memref_slice %arg8[%add3A_112, %dma_wait3A_149] : memref<40x128xi32, #tpu.memory_space<vmem>> -> memref<1x128xi32, #tpu.memory_space<vmem>>
        %dma_wait3A_151 = tpu.memref_squeeze %dma_wait3A_150 : memref<1x128xi32, #tpu.memory_space<vmem>> -> memref<128xi32, #tpu.memory_space<vmem>>
        %dma_wait3A_152 = arith.constant 0 : i32
        %dma_wait3A_153 = arith.constant 0 : i32
        %dma_wait3A_154 = tpu.memref_slice %arg13[%dma_wait3A_152, %dma_wait3A_153] : memref<10112x64xf32, #tpu.memory_space<vmem_shared>> -> memref<10112x64xf32, #tpu.memory_space<vmem_shared>>
        tpu.wait_indirect_dma semaphore(%run_scoped3A : memref<!tpu.dma_semaphore, #tpu.memory_space<semaphore_mem>>) src(%arg11 : memref<128x64xf32, #tpu.memory_space<vmem>>) dst(%dma_wait3A_154 : memref<10112x64xf32, #tpu.memory_space<vmem_shared>>)
        tpu.yield
      }) : () -> ()
      %add3A_119 = arith.constant 4 : i32
      %add3A_120 = arith.addi %add3A_112, %add3A_119 : i32
      %lt3A_121 = arith.constant 40 : i32
      %lt3A_122 = arith.cmpi slt, %add3A_120, %lt3A_121 : i32
      %convert_element_type3A_123 = arith.extui %lt3A_122 : i1 to i32
      %cond3A_124 = arith.constant 0 : i32
      %cond3A_125 = arith.cmpi ne, %convert_element_type3A_123, %cond3A_124 : i32
      scf.if %cond3A_125 {
        %add3A_143 = arith.constant 4 : i32
        %add3A_144 = arith.addi %add3A_112, %add3A_143 : i32
        %dma_start3A_145 = arith.constant 0 : i32
        %dma_start3A_146 = tpu.memref_slice %arg7[%add3A_144, %dma_start3A_145] : memref<40x128xi32, #tpu.memory_space<vmem>> -> memref<1x128xi32, #tpu.memory_space<vmem>>
        %dma_start3A_147 = tpu.memref_squeeze %dma_start3A_146 : memref<1x128xi32, #tpu.memory_space<vmem>> -> memref<128xi32, #tpu.memory_space<vmem>>
        %dma_start3A_148 = arith.constant 0 : i32
        %dma_start3A_149 = arith.constant 0 : i32
        %dma_start3A_150 = tpu.memref_slice %arg2[%dma_start3A_148, %dma_start3A_149] : memref<10000x64xf32, #tpu.memory_space<hbm>> -> memref<10000x64xf32, #tpu.memory_space<hbm>>
        tpu.enqueue_indirect_dma source(%dma_start3A_150 : memref<10000x64xf32, #tpu.memory_space<hbm>>) target(%arg11 : memref<128x64xf32, #tpu.memory_space<vmem>>) offsets(%dma_start3A_147 : memref<128xi32, #tpu.memory_space<vmem>>) semaphore(%arg16 : memref<!tpu.dma_semaphore, #tpu.memory_space<semaphore_mem>>)
      } else {
      }
      %mul3A_126 = arith.constant 4 : i32
      %mul3A_127 = arith.muli %mul3A_126, %scan3A_78 : i32
      %add3A_128 = arith.constant 3 : i32
      %add3A_129 = arith.addi %mul3A_127, %add3A_128 : i32
      %dma_wait3A_130 = arith.constant 0 : i32
      %dma_wait3A_131 = tpu.memref_slice %arg7[%add3A_129, %dma_wait3A_130] : memref<40x128xi32, #tpu.memory_space<vmem>> -> memref<1x128xi32, #tpu.memory_space<vmem>>
      %dma_wait3A_132 = tpu.memref_squeeze %dma_wait3A_131 : memref<1x128xi32, #tpu.memory_space<vmem>> -> memref<128xi32, #tpu.memory_space<vmem>>
      %dma_wait3A_133 = arith.constant 0 : i32
      %dma_wait3A_134 = arith.constant 0 : i32
      %dma_wait3A_135 = tpu.memref_slice %arg2[%dma_wait3A_133, %dma_wait3A_134] : memref<10000x64xf32, #tpu.memory_space<hbm>> -> memref<10000x64xf32, #tpu.memory_space<hbm>>
      tpu.wait_indirect_dma semaphore(%arg17 : memref<!tpu.dma_semaphore, #tpu.memory_space<semaphore_mem>>) src(%dma_wait3A_135 : memref<10000x64xf32, #tpu.memory_space<hbm>>) dst(%arg12 : memref<128x64xf32, #tpu.memory_space<vmem>>)
      "tpu.region"() ({
        %run_scoped3A = tpu.sem_alloc : memref<!tpu.dma_semaphore, #tpu.memory_space<semaphore_mem>>
        %dma_start3A_143 = arith.constant 0 : i32
        %dma_start3A_144 = tpu.memref_slice %arg8[%add3A_129, %dma_start3A_143] : memref<40x128xi32, #tpu.memory_space<vmem>> -> memref<1x128xi32, #tpu.memory_space<vmem>>
        %dma_start3A_145 = tpu.memref_squeeze %dma_start3A_144 : memref<1x128xi32, #tpu.memory_space<vmem>> -> memref<128xi32, #tpu.memory_space<vmem>>
        %dma_start3A_146 = arith.constant 0 : i32
        %dma_start3A_147 = arith.constant 0 : i32
        %dma_start3A_148 = tpu.memref_slice %arg13[%dma_start3A_146, %dma_start3A_147] : memref<10112x64xf32, #tpu.memory_space<vmem_shared>> -> memref<10112x64xf32, #tpu.memory_space<vmem_shared>>
        tpu.enqueue_indirect_dma source(%arg12 : memref<128x64xf32, #tpu.memory_space<vmem>>) target(%dma_start3A_148 : memref<10112x64xf32, #tpu.memory_space<vmem_shared>>) offsets(%dma_start3A_145 : memref<128xi32, #tpu.memory_space<vmem>>) semaphore(%run_scoped3A : memref<!tpu.dma_semaphore, #tpu.memory_space<semaphore_mem>>) {add = true}
        %dma_wait3A_149 = arith.constant 0 : i32
        %dma_wait3A_150 = tpu.memref_slice %arg8[%add3A_129, %dma_wait3A_149] : memref<40x128xi32, #tpu.memory_space<vmem>> -> memref<1x128xi32, #tpu.memory_space<vmem>>
        %dma_wait3A_151 = tpu.memref_squeeze %dma_wait3A_150 : memref<1x128xi32, #tpu.memory_space<vmem>> -> memref<128xi32, #tpu.memory_space<vmem>>
        %dma_wait3A_152 = arith.constant 0 : i32
        %dma_wait3A_153 = arith.constant 0 : i32
        %dma_wait3A_154 = tpu.memref_slice %arg13[%dma_wait3A_152, %dma_wait3A_153] : memref<10112x64xf32, #tpu.memory_space<vmem_shared>> -> memref<10112x64xf32, #tpu.memory_space<vmem_shared>>
        tpu.wait_indirect_dma semaphore(%run_scoped3A : memref<!tpu.dma_semaphore, #tpu.memory_space<semaphore_mem>>) src(%arg12 : memref<128x64xf32, #tpu.memory_space<vmem>>) dst(%dma_wait3A_154 : memref<10112x64xf32, #tpu.memory_space<vmem_shared>>)
        tpu.yield
      }) : () -> ()
      %add3A_136 = arith.constant 4 : i32
      %add3A_137 = arith.addi %add3A_129, %add3A_136 : i32
      %lt3A_138 = arith.constant 40 : i32
      %lt3A_139 = arith.cmpi slt, %add3A_137, %lt3A_138 : i32
      %convert_element_type3A_140 = arith.extui %lt3A_139 : i1 to i32
      %cond3A_141 = arith.constant 0 : i32
      %cond3A_142 = arith.cmpi ne, %convert_element_type3A_140, %cond3A_141 : i32
      scf.if %cond3A_142 {
        %add3A_143 = arith.constant 4 : i32
        %add3A_144 = arith.addi %add3A_129, %add3A_143 : i32
        %dma_start3A_145 = arith.constant 0 : i32
        %dma_start3A_146 = tpu.memref_slice %arg7[%add3A_144, %dma_start3A_145] : memref<40x128xi32, #tpu.memory_space<vmem>> -> memref<1x128xi32, #tpu.memory_space<vmem>>
        %dma_start3A_147 = tpu.memref_squeeze %dma_start3A_146 : memref<1x128xi32, #tpu.memory_space<vmem>> -> memref<128xi32, #tpu.memory_space<vmem>>
        %dma_start3A_148 = arith.constant 0 : i32
        %dma_start3A_149 = arith.constant 0 : i32
        %dma_start3A_150 = tpu.memref_slice %arg2[%dma_start3A_148, %dma_start3A_149] : memref<10000x64xf32, #tpu.memory_space<hbm>> -> memref<10000x64xf32, #tpu.memory_space<hbm>>
        tpu.enqueue_indirect_dma source(%dma_start3A_150 : memref<10000x64xf32, #tpu.memory_space<hbm>>) target(%arg12 : memref<128x64xf32, #tpu.memory_space<vmem>>) offsets(%dma_start3A_147 : memref<128xi32, #tpu.memory_space<vmem>>) semaphore(%arg17 : memref<!tpu.dma_semaphore, #tpu.memory_space<semaphore_mem>>)
      } else {
      }
    }
    %scan3A_74 = arith.constant 10 : i32
    %barrier3A_75 = arith.constant 0 : index
    tpu.barrier barrier_id(%barrier3A_75)
    %mul3A_76 = arith.constant 64 : i32
    %mul3A_77 = arith.muli %arg0, %mul3A_76 : i32
    "tpu.region"() ({
      %run_scoped3A = tpu.sem_alloc : memref<!tpu.dma_semaphore, #tpu.memory_space<semaphore_mem>>
      %dma_start3A_78 = tpu.memref_slice %arg6[%mul3A_2, %mul3A_77] : memref<10112x128xf32, #tpu.memory_space<hbm>> -> memref<632x64xf32, #tpu.memory_space<hbm>>
      %dma_start3A_79 = arith.constant 0 : i32
      %dma_start3A_80 = tpu.memref_slice %arg13[%mul3A_2, %dma_start3A_79] : memref<10112x64xf32, #tpu.memory_space<vmem_shared>> -> memref<632x64xf32, #tpu.memory_space<vmem_shared>>
      tpu.enqueue_dma source(%dma_start3A_80 : memref<632x64xf32, #tpu.memory_space<vmem_shared>>) target(%dma_start3A_78 : memref<632x64xf32, #tpu.memory_space<hbm>>) target_semaphore(%run_scoped3A : memref<!tpu.dma_semaphore, #tpu.memory_space<semaphore_mem>>)
      %dma_wait3A = tpu.memref_slice %arg6[%mul3A_2, %mul3A_77] : memref<10112x128xf32, #tpu.memory_space<hbm>> -> memref<632x64xf32, #tpu.memory_space<hbm>>
      %dma_wait3A_81 = arith.constant 0 : i32
      %dma_wait3A_82 = tpu.memref_slice %arg13[%mul3A_2, %dma_wait3A_81] : memref<10112x64xf32, #tpu.memory_space<vmem_shared>> -> memref<632x64xf32, #tpu.memory_space<vmem_shared>>
      tpu.wait_dma2 semaphore(%run_scoped3A : memref<!tpu.dma_semaphore, #tpu.memory_space<semaphore_mem>>) src(%dma_wait3A_82 : memref<632x64xf32, #tpu.memory_space<vmem_shared>>) dst(%dma_wait3A : memref<632x64xf32, #tpu.memory_space<hbm>>)
      tpu.yield
    }) : () -> ()
    return
  }
}

module attributes {stable_mosaic.version = 14 : i64} {
  func.func @_tc0_body(%arg0: i32, %arg1: memref<2048x128xf32, #tpu.memory_space<vmem>>, %arg2: memref<128x128xf32, #tpu.memory_space<vmem>>, %arg3: memref<1x128xf32, #tpu.memory_space<vmem>>, %arg4: memref<2048x128xf32, #tpu.memory_space<vmem>>) attributes {dimension_semantics = [#tpu.dimension_semantics<arbitrary>], iteration_bounds = array<i64: 5>, scalar_prefetch = 0 : i64, scratch_operands = 0 : i64, tpu.core_type = #tpu.core_type<tc>, window_params = [{transform_indices = @transform_0, window_bounds = array<i64: 2048, 128>}, {pipeline_mode = #tpu.pipeline_mode<synchronous>, transform_indices = @transform_1, window_bounds = array<i64: 128, 128>}, {pipeline_mode = #tpu.pipeline_mode<synchronous>, transform_indices = @transform_2, window_bounds = array<i64: 1, 128>}, {transform_indices = @transform_3, window_bounds = array<i64: 2048, 128>}]} {
    %get3A = arith.constant 0 : index
    %get3A_0 = arith.constant 0 : index
    %get3A_1 = vector.load %arg1[%get3A, %get3A_0] : memref<2048x128xf32, #tpu.memory_space<vmem>>, vector<2048x128xf32>
    %get3A_2 = arith.constant 0 : index
    %get3A_3 = arith.constant 0 : index
    %get3A_4 = vector.load %arg2[%get3A_2, %get3A_3] : memref<128x128xf32, #tpu.memory_space<vmem>>, vector<128x128xf32>
    %dot_general3A = arith.constant dense<0.000000e+00> : vector<2048x128xf32>
    %dot_general3A_5 = tpu.matmul %get3A_1, %get3A_4, %dot_general3A {dimension_numbers = #tpu.dot_dimension_numbers<[1], [0], [0], [1], [0, 0, 1, 1], [], []>, transpose_lhs_hint = false} : vector<2048x128xf32>, vector<128x128xf32>, vector<2048x128xf32> -> vector<2048x128xf32>
    %get3A_6 = arith.constant 0 : index
    %get3A_7 = arith.constant 0 : index
    %get3A_8 = vector.load %arg3[%get3A_6, %get3A_7] : memref<1x128xf32, #tpu.memory_space<vmem>>, vector<1x128xf32>
    %add3A = vector.broadcast %get3A_8 : vector<1x128xf32> to vector<2048x128xf32>
    %add3A_9 = arith.addf %dot_general3A_5, %add3A : vector<2048x128xf32>
    %swap3A = arith.constant 0 : index
    %swap3A_10 = arith.constant 0 : index
    %swap3A_11 = vector.load %arg4[%swap3A, %swap3A_10] : memref<2048x128xf32, #tpu.memory_space<vmem>>, vector<2048x128xf32>
    tpu.vector_store %arg4[%swap3A, %swap3A_10], %add3A_9 {strides = array<i32>} : memref<2048x128xf32, #tpu.memory_space<vmem>>, vector<2048x128xf32>,
    return
  }
  func.func @transform_0(%arg0: i32) -> (i32, i32) {
    %c0_i32 = arith.constant 0 : i32
    %c0_i32_0 = arith.constant 0 : i32
    return %arg0, %c0_i32 : i32, i32
  }
  func.func @transform_1(%arg0: i32) -> (i32, i32) {
    %c0_i32 = arith.constant 0 : i32
    %c0_i32_0 = arith.constant 0 : i32
    %c0_i32_1 = arith.constant 0 : i32
    return %c0_i32, %c0_i32_0 : i32, i32
  }
  func.func @transform_2(%arg0: i32) -> (i32, i32) {
    %c0_i32 = arith.constant 0 : i32
    %c0_i32_0 = arith.constant 0 : i32
    %c0_i32_1 = arith.constant 0 : i32
    return %c0_i32, %c0_i32_0 : i32, i32
  }
  func.func @transform_3(%arg0: i32) -> (i32, i32) {
    %c0_i32 = arith.constant 0 : i32
    %c0_i32_0 = arith.constant 0 : i32
    return %arg0, %c0_i32 : i32, i32
  }
}

module attributes {stable_mosaic.version = 14 : i64} {
  func.func @_tc1_body(%arg0: i32, %arg1: memref<2048x128xf32, #tpu.memory_space<vmem>>, %arg2: memref<2x2048x128xf32, #tpu.memory_space<vmem>>, %arg3: memref<2x2048xf32, #tpu.memory_space<vmem>>, %arg4: memref<128x128xf32, #tpu.memory_space<vmem>>, %arg5: memref<128x64xf32, #tpu.memory_space<vmem>>, %arg6: memref<2048x128xf32, #tpu.memory_space<vmem>>, %arg7: memref<2048x64xf32, #tpu.memory_space<vmem>>) attributes {dimension_semantics = [#tpu.dimension_semantics<arbitrary>], iteration_bounds = array<i64: 5>, scalar_prefetch = 0 : i64, scratch_operands = 0 : i64, tpu.core_type = #tpu.core_type<tc>, window_params = [{transform_indices = @transform_0, window_bounds = array<i64: 2048, 128>}, {transform_indices = @transform_1, window_bounds = array<i64: 2, 2048, 128>}, {transform_indices = @transform_2, window_bounds = array<i64: 2, 2048>}, {pipeline_mode = #tpu.pipeline_mode<synchronous>, transform_indices = @transform_3, window_bounds = array<i64: 128, 128>}, {pipeline_mode = #tpu.pipeline_mode<synchronous>, transform_indices = @transform_4, window_bounds = array<i64: 128, 64>}, {transform_indices = @transform_5, window_bounds = array<i64: 2048, 128>}, {transform_indices = @transform_6, window_bounds = array<i64: 2048, 64>}]} {
    %get3A = arith.constant 0 : index
    %get3A_0 = arith.constant 0 : index
    %get3A_1 = vector.load %arg3[%get3A, %get3A_0] : memref<2x2048xf32, #tpu.memory_space<vmem>>, vector<1x2048xf32>
    %get3A_2 = arith.constant 1 : index
    %get3A_3 = arith.constant 0 : index
    %get3A_4 = vector.load %arg3[%get3A_2, %get3A_3] : memref<2x2048xf32, #tpu.memory_space<vmem>>, vector<1x2048xf32>
    %add3A = arith.addf %get3A_1, %get3A_4 : vector<1x2048xf32>
    %max3A = arith.constant 1.000000e+00 : f32
    %max3A_5 = vector.broadcast %max3A : f32 to vector<1x2048xf32>
    %max3A_6 = arith.maximumf %add3A, %max3A_5 : vector<1x2048xf32>
    %div3A = arith.constant 1.000000e+00 : f32
    %div3A_7 = vector.broadcast %div3A : f32 to vector<1x2048xf32>
    %div3A_8 = arith.divf %div3A_7, %max3A_6 : vector<1x2048xf32>
    %reshape3A = vector.shape_cast %div3A_8 : vector<1x2048xf32> to vector<2048x1xf32>
    %get3A_9 = arith.constant 0 : index
    %get3A_10 = arith.constant 0 : index
    %get3A_11 = arith.constant 0 : index
    %get3A_12 = vector.load %arg2[%get3A_9, %get3A_10, %get3A_11] : memref<2x2048x128xf32, #tpu.memory_space<vmem>>, vector<1x2048x128xf32>
    %get3A_13 = vector.shape_cast %get3A_12 : vector<1x2048x128xf32> to vector<2048x128xf32>
    %get3A_14 = arith.constant 1 : index
    %get3A_15 = arith.constant 0 : index
    %get3A_16 = arith.constant 0 : index
    %get3A_17 = vector.load %arg2[%get3A_14, %get3A_15, %get3A_16] : memref<2x2048x128xf32, #tpu.memory_space<vmem>>, vector<1x2048x128xf32>
    %get3A_18 = vector.shape_cast %get3A_17 : vector<1x2048x128xf32> to vector<2048x128xf32>
    %add3A_19 = arith.addf %get3A_13, %get3A_18 : vector<2048x128xf32>
    %get3A_20 = arith.constant 0 : index
    %get3A_21 = arith.constant 0 : index
    %get3A_22 = vector.load %arg4[%get3A_20, %get3A_21] : memref<128x128xf32, #tpu.memory_space<vmem>>, vector<128x128xf32>
    %dot_general3A = arith.constant dense<0.000000e+00> : vector<2048x128xf32>
    %dot_general3A_23 = tpu.matmul %add3A_19, %get3A_22, %dot_general3A {dimension_numbers = #tpu.dot_dimension_numbers<[1], [0], [0], [1], [0, 0, 1, 1], [], []>, transpose_lhs_hint = false} : vector<2048x128xf32>, vector<128x128xf32>, vector<2048x128xf32> -> vector<2048x128xf32>
    %get3A_24 = arith.constant 0 : index
    %get3A_25 = arith.constant 0 : index
    %get3A_26 = vector.load %arg1[%get3A_24, %get3A_25] : memref<2048x128xf32, #tpu.memory_space<vmem>>, vector<2048x128xf32>
    %mul3A = vector.broadcast %reshape3A : vector<2048x1xf32> to vector<2048x128xf32>
    %mul3A_27 = arith.mulf %dot_general3A_23, %mul3A : vector<2048x128xf32>
    %add3A_28 = arith.addf %get3A_26, %mul3A_27 : vector<2048x128xf32>
    %max3A_29 = arith.constant 0.000000e+00 : f32
    %max3A_30 = vector.broadcast %max3A_29 : f32 to vector<2048x128xf32>
    %max3A_31 = arith.maximumf %add3A_28, %max3A_30 : vector<2048x128xf32>
    %swap3A = arith.constant 0 : index
    %swap3A_32 = arith.constant 0 : index
    %swap3A_33 = vector.load %arg6[%swap3A, %swap3A_32] : memref<2048x128xf32, #tpu.memory_space<vmem>>, vector<2048x128xf32>
    tpu.vector_store %arg6[%swap3A, %swap3A_32], %max3A_31 {strides = array<i32>} : memref<2048x128xf32, #tpu.memory_space<vmem>>, vector<2048x128xf32>,
    %get3A_34 = arith.constant 0 : index
    %get3A_35 = arith.constant 0 : index
    %get3A_36 = vector.load %arg5[%get3A_34, %get3A_35] : memref<128x64xf32, #tpu.memory_space<vmem>>, vector<128x64xf32>
    %dot_general3A_37 = arith.constant dense<0.000000e+00> : vector<2048x64xf32>
    %dot_general3A_38 = tpu.matmul %max3A_31, %get3A_36, %dot_general3A_37 {dimension_numbers = #tpu.dot_dimension_numbers<[1], [0], [0], [1], [0, 0, 1, 1], [], []>, transpose_lhs_hint = false} : vector<2048x128xf32>, vector<128x64xf32>, vector<2048x64xf32> -> vector<2048x64xf32>
    %swap3A_39 = arith.constant 0 : index
    %swap3A_40 = arith.constant 0 : index
    %swap3A_41 = vector.load %arg7[%swap3A_39, %swap3A_40] : memref<2048x64xf32, #tpu.memory_space<vmem>>, vector<2048x64xf32>
    tpu.vector_store %arg7[%swap3A_39, %swap3A_40], %dot_general3A_38 {strides = array<i32>} : memref<2048x64xf32, #tpu.memory_space<vmem>>, vector<2048x64xf32>,
    return
  }
  func.func @transform_0(%arg0: i32) -> (i32, i32) {
    %c0_i32 = arith.constant 0 : i32
    %c0_i32_0 = arith.constant 0 : i32
    return %arg0, %c0_i32 : i32, i32
  }
  func.func @transform_1(%arg0: i32) -> (i32, i32, i32) {
    %c0_i32 = arith.constant 0 : i32
    %c0_i32_0 = arith.constant 0 : i32
    %c0_i32_1 = arith.constant 0 : i32
    return %c0_i32, %arg0, %c0_i32_0 : i32, i32, i32
  }
  func.func @transform_2(%arg0: i32) -> (i32, i32) {
    %c0_i32 = arith.constant 0 : i32
    %c0_i32_0 = arith.constant 0 : i32
    return %c0_i32, %arg0 : i32, i32
  }
  func.func @transform_3(%arg0: i32) -> (i32, i32) {
    %c0_i32 = arith.constant 0 : i32
    %c0_i32_0 = arith.constant 0 : i32
    %c0_i32_1 = arith.constant 0 : i32
    return %c0_i32, %c0_i32_0 : i32, i32
  }
  func.func @transform_4(%arg0: i32) -> (i32, i32) {
    %c0_i32 = arith.constant 0 : i32
    %c0_i32_0 = arith.constant 0 : i32
    %c0_i32_1 = arith.constant 0 : i32
    return %c0_i32, %c0_i32_0 : i32, i32
  }
  func.func @transform_5(%arg0: i32) -> (i32, i32) {
    %c0_i32 = arith.constant 0 : i32
    %c0_i32_0 = arith.constant 0 : i32
    return %arg0, %c0_i32 : i32, i32
  }
  func.func @transform_6(%arg0: i32) -> (i32, i32) {
    %c0_i32 = arith.constant 0 : i32
    %c0_i32_0 = arith.constant 0 : i32
    return %arg0, %c0_i32 : i32, i32
  }
}

module attributes {stable_mosaic.version = 14 : i64} {
  func.func @_tcmid_body(%arg0: i32, %arg1: memref<2048x128xf32, #tpu.memory_space<vmem>>, %arg2: memref<128x64xf32, #tpu.memory_space<vmem>>, %arg3: memref<1x64xf32, #tpu.memory_space<vmem>>, %arg4: memref<2048x64xf32, #tpu.memory_space<vmem>>) attributes {dimension_semantics = [#tpu.dimension_semantics<arbitrary>], iteration_bounds = array<i64: 5>, scalar_prefetch = 0 : i64, scratch_operands = 0 : i64, tpu.core_type = #tpu.core_type<tc>, window_params = [{transform_indices = @transform_0, window_bounds = array<i64: 2048, 128>}, {pipeline_mode = #tpu.pipeline_mode<synchronous>, transform_indices = @transform_1, window_bounds = array<i64: 128, 64>}, {pipeline_mode = #tpu.pipeline_mode<synchronous>, transform_indices = @transform_2, window_bounds = array<i64: 1, 64>}, {transform_indices = @transform_3, window_bounds = array<i64: 2048, 64>}]} {
    %get3A = arith.constant 0 : index
    %get3A_0 = arith.constant 0 : index
    %get3A_1 = vector.load %arg1[%get3A, %get3A_0] : memref<2048x128xf32, #tpu.memory_space<vmem>>, vector<2048x128xf32>
    %get3A_2 = arith.constant 0 : index
    %get3A_3 = arith.constant 0 : index
    %get3A_4 = vector.load %arg2[%get3A_2, %get3A_3] : memref<128x64xf32, #tpu.memory_space<vmem>>, vector<128x64xf32>
    %dot_general3A = arith.constant dense<0.000000e+00> : vector<2048x64xf32>
    %dot_general3A_5 = tpu.matmul %get3A_1, %get3A_4, %dot_general3A {dimension_numbers = #tpu.dot_dimension_numbers<[1], [0], [0], [1], [0, 0, 1, 1], [], []>, transpose_lhs_hint = false} : vector<2048x128xf32>, vector<128x64xf32>, vector<2048x64xf32> -> vector<2048x64xf32>
    %get3A_6 = arith.constant 0 : index
    %get3A_7 = arith.constant 0 : index
    %get3A_8 = vector.load %arg3[%get3A_6, %get3A_7] : memref<1x64xf32, #tpu.memory_space<vmem>>, vector<1x64xf32>
    %add3A = vector.broadcast %get3A_8 : vector<1x64xf32> to vector<2048x64xf32>
    %add3A_9 = arith.addf %dot_general3A_5, %add3A : vector<2048x64xf32>
    %swap3A = arith.constant 0 : index
    %swap3A_10 = arith.constant 0 : index
    %swap3A_11 = vector.load %arg4[%swap3A, %swap3A_10] : memref<2048x64xf32, #tpu.memory_space<vmem>>, vector<2048x64xf32>
    tpu.vector_store %arg4[%swap3A, %swap3A_10], %add3A_9 {strides = array<i32>} : memref<2048x64xf32, #tpu.memory_space<vmem>>, vector<2048x64xf32>,
    return
  }
  func.func @transform_0(%arg0: i32) -> (i32, i32) {
    %c0_i32 = arith.constant 0 : i32
    %c0_i32_0 = arith.constant 0 : i32
    return %arg0, %c0_i32 : i32, i32
  }
  func.func @transform_1(%arg0: i32) -> (i32, i32) {
    %c0_i32 = arith.constant 0 : i32
    %c0_i32_0 = arith.constant 0 : i32
    %c0_i32_1 = arith.constant 0 : i32
    return %c0_i32, %c0_i32_0 : i32, i32
  }
  func.func @transform_2(%arg0: i32) -> (i32, i32) {
    %c0_i32 = arith.constant 0 : i32
    %c0_i32_0 = arith.constant 0 : i32
    %c0_i32_1 = arith.constant 0 : i32
    return %c0_i32, %c0_i32_0 : i32, i32
  }
  func.func @transform_3(%arg0: i32) -> (i32, i32) {
    %c0_i32 = arith.constant 0 : i32
    %c0_i32_0 = arith.constant 0 : i32
    return %arg0, %c0_i32 : i32, i32
  }
}

module attributes {stable_mosaic.version = 14 : i64} {
  func.func @_tc2_body(%arg0: i32, %arg1: memref<2048x64xf32, #tpu.memory_space<vmem>>, %arg2: memref<2048x128xf32, #tpu.memory_space<vmem>>, %arg3: memref<2x2048xf32, #tpu.memory_space<vmem>>, %arg4: memref<64x2048xf32, #tpu.memory_space<vmem>>) attributes {dimension_semantics = [#tpu.dimension_semantics<arbitrary>], iteration_bounds = array<i64: 5>, scalar_prefetch = 0 : i64, scratch_operands = 0 : i64, tpu.core_type = #tpu.core_type<tc>, window_params = [{transform_indices = @transform_0, window_bounds = array<i64: 2048, 64>}, {transform_indices = @transform_1, window_bounds = array<i64: 2048, 128>}, {transform_indices = @transform_2, window_bounds = array<i64: 2, 2048>}, {transform_indices = @transform_3, window_bounds = array<i64: 64, 2048>}]} {
    %get3A = arith.constant 0 : index
    %get3A_0 = arith.constant 0 : index
    %get3A_1 = vector.load %arg3[%get3A, %get3A_0] : memref<2x2048xf32, #tpu.memory_space<vmem>>, vector<1x2048xf32>
    %get3A_2 = arith.constant 1 : index
    %get3A_3 = arith.constant 0 : index
    %get3A_4 = vector.load %arg3[%get3A_2, %get3A_3] : memref<2x2048xf32, #tpu.memory_space<vmem>>, vector<1x2048xf32>
    %add3A = arith.addf %get3A_1, %get3A_4 : vector<1x2048xf32>
    %max3A = arith.constant 1.000000e+00 : f32
    %max3A_5 = vector.broadcast %max3A : f32 to vector<1x2048xf32>
    %max3A_6 = arith.maximumf %add3A, %max3A_5 : vector<1x2048xf32>
    %get3A_7 = arith.constant 0 : index
    %get3A_8 = arith.constant 0 : index
    %get3A_9 = vector.load %arg2[%get3A_7, %get3A_8] : memref<2048x128xf32, #tpu.memory_space<vmem>>, vector<2048x128xf32>
    %transpose3A = tpu.transpose %get3A_9, [1, 0] : vector<2048x128xf32> -> vector<128x2048xf32>
    %get3A_10 = arith.constant 0 : index
    %get3A_11 = arith.constant 0 : index
    %get3A_12 = vector.load %arg1[%get3A_10, %get3A_11] : memref<2048x64xf32, #tpu.memory_space<vmem>>, vector<2048x64xf32>
    %transpose3A_13 = tpu.transpose %get3A_12, [1, 0] : vector<2048x64xf32> -> vector<64x2048xf32>
    %slice3A = vector.extract_strided_slice %transpose3A {offsets = [0, 0], sizes = [64, 2048], strides = [1, 1]} : vector<128x2048xf32> to vector<64x2048xf32>
    %slice3A_14 = vector.extract_strided_slice %transpose3A {offsets = [64, 0], sizes = [64, 2048], strides = [1, 1]} : vector<128x2048xf32> to vector<64x2048xf32>
    %add3A_15 = arith.addf %slice3A, %slice3A_14 : vector<64x2048xf32>
    %div3A = vector.broadcast %max3A_6 : vector<1x2048xf32> to vector<64x2048xf32>
    %div3A_16 = arith.divf %add3A_15, %div3A : vector<64x2048xf32>
    %add3A_17 = arith.addf %transpose3A_13, %div3A_16 : vector<64x2048xf32>
    %swap3A = arith.constant 0 : index
    %swap3A_18 = arith.constant 0 : index
    %swap3A_19 = vector.load %arg4[%swap3A, %swap3A_18] : memref<64x2048xf32, #tpu.memory_space<vmem>>, vector<64x2048xf32>
    tpu.vector_store %arg4[%swap3A, %swap3A_18], %add3A_17 {strides = array<i32>} : memref<64x2048xf32, #tpu.memory_space<vmem>>, vector<64x2048xf32>,
    return
  }
  func.func @transform_0(%arg0: i32) -> (i32, i32) {
    %c0_i32 = arith.constant 0 : i32
    %c0_i32_0 = arith.constant 0 : i32
    return %arg0, %c0_i32 : i32, i32
  }
  func.func @transform_1(%arg0: i32) -> (i32, i32) {
    %c0_i32 = arith.constant 0 : i32
    %c0_i32_0 = arith.constant 0 : i32
    return %arg0, %c0_i32 : i32, i32
  }
  func.func @transform_2(%arg0: i32) -> (i32, i32) {
    %c0_i32 = arith.constant 0 : i32
    %c0_i32_0 = arith.constant 0 : i32
    return %c0_i32, %arg0 : i32, i32
  }
  func.func @transform_3(%arg0: i32) -> (i32, i32) {
    %c0_i32 = arith.constant 0 : i32
    %c0_i32_0 = arith.constant 0 : i32
    return %c0_i32, %arg0 : i32, i32
  }
}

</mosaic_0001>

<sc_bundles>
// kernel: kernel.11.cloned.1.call-start
scs
__scs_entry_jumppad:
0x0: {  	(pc) =	sbr.rel $0x88, $3  }
0x1: {  	(tag) =	ssettag $0x0;
	lr =	simm.s32 $0x1  }
0x2: {  	[smem:$0x3F99] =	sst lr;
	_ =	strace $0xD0000000  }
0x3: {  	_ = 	snop  }
0x4: {  	_ = 	snop  }
0x5: {  	_ = 	snop  }
0x6: {  	_ = 	snop  }
0x7: {  	_ = 	snop  }
__scs_overlays_trampoline_lowered:
0x8: {  	[smem:$0x3FA8] =	sst s0  }
0x9: {  	[smem:$0x3FA9] =	sst s1  }
0xa: {  	[smem:$0x3FAA] =	sst s2  }
0xb: {  	[smem:$0x3FAB] =	sst s3  }
0xc: {  	[smem:$0x3FAC] =	sst s4  }
0xd: {  	[smem:$0x3FAD] =	sst s5  }
0xe: {  	[smem:$0x3FAE] =	sst s6  }
0xf: {  	[smem:$0x3FAF] =	sst s7  }
0x10: {  	[smem:$0x3FB0] =	sst s8  }
0x11: {  	[smem:$0x3FB1] =	sst s9;
	s0 =	simm.s32 @!p0 $0x0  }
0x12: {  	s1 =	sld [smem:$0x3F97];
	s0 =	simm.s32 @p0 $0x1  }
0x13: {  	[smem:$0x3FB2] =	sst s0;
	s0 =	simm.s32 @!p1 $0x0  }
0x14: {  	s2 =	sld [smem:$0x3F96];
	s0 =	simm.s32 @p1 $0x1  }
0x15: {  	[smem:$0x3FB3] =	sst s0;
	s0 =	simm.s32 @!p2 $0x0  }
0x16: {  	s3 =	sld [smem:$0x3FDB];
	s0 =	simm.s32 @p2 $0x1  }
0x17: {  	s4 =	simm.s32 $0x1BF5;
	[smem:$0x3FB5] =	sst s0  }
0x18: {  	s0 =	sld [smem:$0x3F98];
	_ =	swait.ge [sflag:s4], $0x0  }
0x19: {  	s7 =	sld [smem:$0x3F99]  }
0x1a: {  	s8 =	sadd.s32 $0xFFFFE003, lr  }
0x1b: {  	s9 =	sadd.s32 $0xFFFFFEF7, lr;
	s5 =	simm.s32 $0xFFFFFFFF;
	p2 =	slt.u32 s8, $0xFFFFF086  }
0x1c: {  	p1 =	slt.u32 s9, $0xF7A;
	s5 =	simm.s32 @!p2 $0x0  }
0x1d: {  	s5 =	simm.s32 @p1 $0x1;
	p0 =	seq.s32 s7, s2  }
0x1e: {  	s7 =	smul.u32 @!p0 $0xF7A, s2;
	p2 =	seq.s32 @!p0 s5, $0x0  }
0x1f: {  	s9 =	smul.u32 $0xF7A, s1;
	s8 =	simm.s32 @!p0 $0x1BF5;
	p2 =	por !p2, p0  }
0x20: {  	[sflag:s8] =	ssyncset.s32 @!p0 $0xFFFFF086;
	s6 =	sadd.s32 @!p0 s3, s7;
	s7 =	simm.s32 @!p0 $0x108  }
0x21: {  	s3 =	sadd.s32 s3, s9;
	s6 =	sadd.s32 @!p0 $0x88, s6;
	s7 =	simm.s32 @p2 $0x1082  }
0x22: {  	[simem:s7], [sflag:s8] =	dma.local @!p0 [hbm:s6], $0xF7A  }
0x23: {  	s9 =	sor.u32 $0xD0000000, s2;
	s6 =	simm.s32 $0x108;
	_ =	swait.ge @!p0 [sflag:s8], $0x0  }
0x24: {  	s3 =	sadd.s32 $0x88, s3;
	s6 =	simm.s32 @!p1 $0x1082;
	[sflag:s4] =	ssyncset.s32 $0xFFFFF086  }
0x25: {  	[simem:s6], [sflag:s4] =	dma.local [hbm:s3], $0xF7A  }
0x26: {  	[smem:$0x3F99] =	sst s1;
	(tag) =	ssettag s2;
	_ =	strace s9  }
0x27: {  	s1 =	sld [smem:$0x3FA9]  }
0x28: {  	s2 =	sld [smem:$0x3FAA]  }
0x29: {  	s4 =	sld [smem:$0x3FAC]  }
0x2a: {  	p0 =	seq.s32 s5, $0x0;
	s5 =	sld [smem:$0x3FAD]  }
0x2b: {  	s6 =	sld [smem:$0x3FAE]  }
0x2c: {  	s7 =	sld [smem:$0x3FAF]  }
0x2d: {  	s3 =	simm.s32 $0x108;
	s8 =	sld [smem:$0x3FB0]  }
0x2e: {  	s3 =	simm.s32 @!p0 $0x1082;
	s9 =	sld [smem:$0x3FB1]  }
0x2f: {  	lr =	sadd.s32 s0, s3;
	s0 =	sld [smem:$0x3FA8]  }
0x30: {  	s3 =	sld [smem:$0x3FAB]  }
0x31: {  	[smem:$0x3FB4] =	sst s10  }
0x32: {  	s10 =	sld [smem:$0x3FB2];
	_ =	sdelay $0x3  }
0x33: {  	p0 =	seq.s32 s10, $0x1;
	s10 =	sld [smem:$0x3FB4];
	_ =	sdelay $0x3  }
0x34: {  	[smem:$0x3FB4] =	sst s10  }
0x35: {  	s10 =	sld [smem:$0x3FB3];
	_ =	sdelay $0x3  }
0x36: {  	p1 =	seq.s32 s10, $0x1;
	s10 =	sld [smem:$0x3FB4];
	_ =	sdelay $0x3  }
0x37: {  	[smem:$0x3FB4] =	sst s10  }
0x38: {  	s10 =	sld [smem:$0x3FB5]  }
0x39: {  	_ = 	snop;
	(pc) =	sbr.ind lr, $3  }
0x3a: {  	_ = 	snop  }
0x3b: {  	_ = 	snop  }
0x3c: {  	p2 =	seq.s32 s10, $0x1;
	s10 =	sld [smem:$0x3FB4]  }
0x3d: {  	_ =	shalt  }
0x3e: {  	_ =	shalt  }
0x3f: {  	_ =	shalt  }
0x40: {  	_ =	shalt  }
0x41: {  	_ =	shalt  }
0x42: {  	_ =	shalt  }
0x43: {  	_ =	shalt  }
0x44: {  	_ =	shalt  }
0x45: {  	_ =	shalt  }
0x46: {  	_ =	shalt  }
0x47: {  	_ =	shalt  }
0x48: {  	_ =	shalt  }
0x49: {  	_ =	shalt  }
0x4a: {  	_ =	shalt  }
0x4b: {  	_ =	shalt  }
0x4c: {  	_ =	shalt  }
0x4d: {  	_ =	shalt  }
0x4e: {  	_ =	shalt  }
0x4f: {  	_ =	shalt  }
0x50: {  	_ =	shalt  }
0x51: {  	_ =	shalt  }
0x52: {  	_ =	shalt  }
0x53: {  	_ =	shalt  }
0x54: {  	_ =	shalt  }
0x55: {  	_ =	shalt  }
0x56: {  	_ =	shalt  }
0x57: {  	_ =	shalt  }
0x58: {  	_ =	shalt  }
0x59: {  	_ =	shalt  }
0x5a: {  	_ =	shalt  }
0x5b: {  	_ =	shalt  }
0x5c: {  	_ =	shalt  }
0x5d: {  	_ =	shalt  }
0x5e: {  	_ =	shalt  }
0x5f: {  	_ =	shalt  }
0x60: {  	_ =	shalt  }
0x61: {  	_ =	shalt  }
0x62: {  	_ =	shalt  }
0x63: {  	_ =	shalt  }
0x64: {  	_ =	shalt  }
0x65: {  	_ =	shalt  }
0x66: {  	_ =	shalt  }
0x67: {  	_ =	shalt  }
0x68: {  	_ =	shalt  }
0x69: {  	_ =	shalt  }
0x6a: {  	_ =	shalt  }
0x6b: {  	_ =	shalt  }
0x6c: {  	_ =	shalt  }
0x6d: {  	_ =	shalt  }
0x6e: {  	_ =	shalt  }
0x6f: {  	_ =	shalt  }
0x70: {  	_ =	shalt  }
0x71: {  	_ =	shalt  }
0x72: {  	_ =	shalt  }
0x73: {  	_ =	shalt  }
0x74: {  	_ =	shalt  }
0x75: {  	_ =	shalt  }
0x76: {  	_ =	shalt  }
0x77: {  	_ =	shalt  }
0x78: {  	_ =	shalt  }
0x79: {  	_ =	shalt  }
0x7a: {  	_ =	shalt  }
0x7b: {  	_ =	shalt  }
0x7c: {  	_ =	shalt  }
0x7d: {  	_ =	shalt  }
0x7e: {  	_ =	shalt  }
0x7f: {  	_ =	shalt  }
0x80: {  	_ =	shalt  }
0x81: {  	_ =	shalt  }
0x82: {  	_ =	shalt  }
0x83: {  	_ =	shalt  }
0x84: {  	_ =	shalt  }
0x85: {  	_ =	shalt  }
0x86: {  	_ =	shalt  }
0x87: {  	_ =	shalt  }
.Lfunc_end0:
.L_simem_size_0:
called_computation.1_lowered:
.L_overlay_start_0:
0x88: {  	s2 =	sld [smem:$0x3FD9]  }
0x89: {  	s3 =	sld [smem:$0x3FFE];
	_ =	sdelay $0x1  }
0x8a: {  	s1 =	srdreg.scid  }
0x8b: {  	s0 =	sand.u32 $0x1, s1  }
0x8c: {  	s17 =	sshll.u32 s0, $0xA;
	s2 =	sadd.s32 s3, s2  }
0x8d: {  	s2 =	sadd.s32 s2, s17  }
0x8e: {  	[smem:$0x3FC0] =	sst s2  }
0x8f: {  	_ = 	snop  }
0x90: {  	s2 =	sld [smem:$0x3FD0];
	(tm) =	ssettm $0x1  }
0x91: {  	s18 =	sld [smem:$0x3FFB];
	_ =	sdelay $0x3  }
0x92: {  	_ =	strace s18  }
0x93: {  	s3 =	sld [smem:$0x3FFC];
	_ =	sdelay $0x3  }
0x94: {  	_ =	strace s3  }
0x95: {  	s3 =	sld [smem:$0x3FFD];
	_ =	sdelay $0x3  }
0x96: {  	_ =	strace s3  }
0x97: {  	_ =	strace $0x8FFFFFFF  }
0x98: {  	s19 =	sld [smem:$0x3FDB];
	_ =	sdelay $0x1  }
0x99: {  	s4 =	simm.s32 $_scs_section_size  }
0x9a: {  	s5 =	simm.s32 $_size__tile_overlayer_lowered;
	s6 =	simm.s32 $_tile_overlayer_lowered  }
0x9b: {  	s22 =	simm.s32 $0x1BFF;
	s21 =	sshll.u32 s6, $0x1;
	s3 =	sadd.s32 s4, s19  }
0x9c: {  	s7 =	simm.s32 $0x0;
	s20 =	sshll.u32 s5, $0x1;
	s5 =	sadd.s32 s21, s3  }
0x9d: {  	[timem:s7], [sflag:s22] =	dma.local [hbm:s5], s20  }
0x9e: {  	_ =	swait.ge [sflag:s22], s20  }
0x9f: {  	s4 =	ssub.s32 $0x0, s20;
	[sflag:s22] =	ssyncset.done $0x0  }
0xa0: {  	[sflag:s22] =	ssyncadd.s32 s4;
	_ =	sdelay $0x1  }
0xa1: {  	s23 =	simm.s32 $0x1B8B  }
0xa2: {  	_ =	swait.ge [sflag:s23], $0x1  }
0xa3: {  	[sflag:s23] =	ssyncset.done $0x0  }
0xa4: {  	s25 =	simm.s32 $0x1B8E;
	s24 =	sld [smem:$0x3FFE];
	[sflag:s23] =	ssyncadd.s32 $0xFFFFFFFF  }
0xa5: {  	s26 =	simm.s32 $execute0_lowered;
	[smem:$0x3FD2] =	sst s25  }
0xa6: {  	s5 =	sshll.u32 s26, $0x1;
	_ =	strace $0x80000049;
	[dreg:$0x1] =	wrdreg $0xFFFFFFFF  }
0xa7: {  	s28 =	simm.s32 $_size_execute0_lowered;
	s3 =	sadd.s32 s3, s5;
	[dreg:$0x0] =	wrdreg $0x0  }
0xa8: {  	s5 =	sshll.u32 s28, $0x1;
	[dreg:$0x2] =	wrdreg s3  }
0xa9: {  	[dreg:$0x3] =	wrdreg s5  }
0xaa: {  	[dreg:$0x4] =	wrdreg $0xC0  }
0xab: {  	_ =	task [dreg:s7], $0x5FFFF  }
0xac: {  	[dreg:$0x1] =	wrdreg $0xFFFFFFFF  }
0xad: {  	[dreg:$0x0] =	wrdreg $0x60  }
0xae: {  	[dreg:$0x2] =	wrdreg s24  }
0xaf: {  	[dreg:$0x3] =	wrdreg s2  }
0xb0: {  	[dreg:$0x4] =	wrdreg $0xA8000  }
0xb1: {  	[dreg:$0x5] =	wrdreg $0x9  }
0xb2: {  	_ =	task.clear_ibuf [dreg:s7], $0x6FFFF;
	_ =	strace $0x90000049  }
0xb3: {  	s29 =	simm.s32 $0x9;
	_ =	strace $0x8000004B  }
0xb4: {  	_ =	swait.ge [sflag:s29], $0x1  }
0xb5: {  	[sflag:s29] =	ssyncadd.s32 $0xFFFFFFFF  }
0xb6: {  	_ =	strace $0x9000004B  }
0xb7: {  	_ =	sfence  }
0xb8: {  	s30 =	sld [smem:$0x0];
	_ =	sdelay $0x2  }
0xb9: {  	s31 =	sshll.u32 s1, $0xD;
	s1 =	sshrl.u32 s1, $0x2  }
0xba: {  	s3 =	sand.u32 $0x4000, s31;
	s1 =	sadd.s32 s1, s30  }
0xbb: {  	s0 =	sor.u32 s3, s0;
	s1 =	sshll.u32 s1, $0x11  }
0xbc: {  	s0 =	sor.u32 s1, s0  }
0xbd: {  	s0 =	sadd.s32 $0x8F2B, s0  }
0xbe: {  	[sflag:s0] =	ssyncadd.remote.s32 $0x1  }
0xbf: {  	_ =	sfence.sel $0xFFFF  }
0xc0: {  	[dreg:$0x0] =	wrdreg $0xFFFFFFFF;
	(pc) =	sbr.abs _section_cstart, $3  }
0xc1: {  	[dreg:$0x1] =	wrdreg $0xFFFFFFFF  }
0xc2: {  	_ =	task.clear_ibuf [dreg:s7], $0x2FFFF;
	_ =	strace $0x9FFFFFFF  }
0xc3: {  	(tm) =	ssettm $0x7FFFFFFF  }
tec
execute0_lowered:
.L_overlay_start_1:
0x0: {  	(tag) =	ssettag $0x1  }
0x1: {  	s0 =	rddreg [dreg:$0x0]  }
0x2: {  	s2 =	rddreg [dreg:$0x1]  }
0x3: {  	s1 =	rddreg [dreg:$0x2]  }
0x4: {  	s3 =	simm.s32 $0x0;
	s5 =	srdreg.scid;
	s12 =	stileid.u32  }
0x5: {  	s13 =	simm.s32 $0x5;
	s14 =	simm.s32 $0x1400;
	s15 =	simm.s32 $0x80  }
0x6: {  	s16 =	simm.s32 $0x2800;
	s17 =	simm.s32 $0x4800;
	s18 =	simm.s32 $0x100  }
0x7: {  	s19 =	simm.s32 $0x6800;
	s20 =	simm.s32 $0x180;
	s28 =	simm.s32 $0x2680  }
0x8: {  	s29 =	simm.s32 $0x2700;
	s30 =	simm.s32 $0x2780;
	[smem:$0x7FF] =	sst s3  }
0x9: {  	s4 =	sadd.s32 $0x15E00, s0;
	s5 =	sand.u32 $0x1, s5;
	s6 =	sshll.u32 s12, $0x1  }
0xa: {  	s9 =	sadd.s32 $0x1E00, s0;
	s7 =	smul.u32 $0x13C00, s12;
	s10 =	sadd.s32 $0xBE00, s0  }
0xb: {  	s21 =	smul.u32 $0x9E00, s12;
	_ =	strace $0x8000004A;
	s6 =	sor.u32 s5, s6  }
0xc: {  	s8 =	sshll.u32 s5, $0x6;
	s5 =	ssub.s32 $0x2, s5;
	s11 =	smul.u32 $0x500, s6  }
0xd: {  	s7 =	sor.u32 s8, s7;
	s22 =	sshrl.u32 s5, $0x1;
	s6 =	smul.u32 $0x2800, s6  }
0xe: {  	s25 =	sshrl.u32 s21, $0x3;
	s26 =	sadd.s32 s21, s1;
	s21 =	simm.s32 $0x8800  }
0xf: {  	s7 =	sshrl.u32 s7, $0x3;
	s5 =	ssub.s32 s5, s22;
	[dreg:$0x6] =	wrdreg s26  }
0x10: {  	s8 =	sadd.s32 s2, s25;
	s22 =	simm.s32 $0x1;
	s25 =	simm.s32 $0x4  }
0x11: {  	s26 =	simm.s32 $0x2600;
	s2 =	simm.s32 $0x0;
	s23 =	sadd.s32 s9, s11  }
0x12: {  	s0 =	sadd.s32 s7, s0;
	s24 =	sadd.s32 s10, s11;
	[dreg:$0x4] =	wrdreg s23  }
0x13: {  	s6 =	sshrl.u32 s6, $0x3;
	s12 =	smax.u32 s5, $0x1;
	[dreg:$0x5] =	wrdreg s24  }
0x14: {  	s31 =	sadd.s32 $0x280, s6;
	s11 =	sadd.s32 $0x29800, s0;
	s23 =	simm.s32 $0x2  }
0x15: {  	s24 =	simm.s32 $0x3;
	s9 =	sadd.s32 s9, s31;
	s10 =	sadd.s32 s10, s31  }
.LBB2_1:
0x16: {  	s0 =	rddreg [dreg:$0x4]  }
0x17: {  	[tilespmem:s3], [sflag:$0x5] =	stream.linear.gather [hbm4b:s0+s3], $0x1400, $0x38;
	[tilespmem:$0x14600] =	vst v63  }
0x18: {  	_ =	swait.ge [sflag:s13], $0x1400  }
0x19: {  	[sflag:s13] =	ssyncset.done $0x0  }
0x1a: {  	s6 =	rddreg [dreg:$0x5];
	[sflag:s13] =	ssyncadd.s32 $0xFFFFEC00  }
0x1b: {  	[tilespmem:s14], [sflag:$0x5] =	stream.linear.gather [hbm4b:s6+s3], $0x1400, $0x38;
	[tilespmem:$0x14600] =	vst v63  }
0x1c: {  	_ =	swait.ge [sflag:s13], $0x1400  }
0x1d: {  	[sflag:s13] =	ssyncset.done $0x0  }
0x1e: {  	[sflag:s13] =	ssyncadd.s32 $0xFFFFEC00  }
0x1f: {  	[tilespmem:s16], [sflag:$0x1] =	stream.indirect.gather [hbm4b:s4+s15], $0x40, s3, s15, $0xb8;
	[tilespmem:$0x14600] =	vst v63  }
0x20: {  	s7 =	stileid.u32  }
0x21: {  	[tilespmem:s17], [sflag:$0x2] =	stream.indirect.gather [hbm4b:s4+s15], $0x40, s15, s15, $0xb8;
	[tilespmem:$0x14600] =	vst v63  }
0x22: {  	s0 =	sshll.u32 s7, $0x6;
	s5 =	rddreg [dreg:$0x6]  }
0x23: {  	[tilespmem:s19], [sflag:$0x3] =	stream.indirect.gather [hbm4b:s4+s15], $0x40, s18, s15, $0xb8;
	[tilespmem:$0x14600] =	vst v63  }
0x24: {  	s31 =	sor.u32 $0x1C05, s0;
	s0 =	sshrl.u32 s5, $0x3  }
0x25: {  	[tilespmem:s21], [sflag:$0x4] =	stream.indirect.gather [hbm4b:s4+s15], $0x40, s20, s15, $0xb8;
	[tilespmem:$0x14600] =	vst v63  }
0x26: {  	[spmem:s0], [sflag:s31] =	dma.local [hbm:s8], $0x13C0  }
0x27: {  	_ =	swait.ge [sflag:s13], $0x13C0  }
0x28: {  	[sflag:s13] =	ssyncset.done $0x0  }
0x29: {  	[sflag:s13] =	ssyncadd.s32 $0xFFFFEC40  }
0x2a: {  	[bflag:$0x0] =	sbarrier.arrive $0xFFFF  }
0x2b: {  	_ =	swait.ge [sflag:s22], $0x2000  }
0x2c: {  	[sflag:s22] =	ssyncset.done $0x0  }
0x2d: {  	s5 =	simm.s32 $0x1400;
	[sflag:s22] =	ssyncadd.s32 $0xFFFFE000  }
0x2e: {  	[spmem:s1] =	stream.indirect.scatter.add.f32 [tilespmem:s16], [sflag:$0x5], $0x40, s5, s15, $0xb8;
	[tilespmem:$0x14600] =	vst v63  }
0x2f: {  	_ =	swait.ge [sflag:s13], $0x2000  }
0x30: {  	[sflag:s13] =	ssyncset.done $0x0  }
0x31: {  	s6 =	simm.s32 $0x200;
	[sflag:s13] =	ssyncadd.s32 $0xFFFFE000  }
0x32: {  	[tilespmem:s16], [sflag:$0x1] =	stream.indirect.gather [hbm4b:s4+s15], $0x40, s6, s15, $0xb8;
	[tilespmem:$0x14600] =	vst v63  }
0x33: {  	_ =	swait.ge [sflag:s23], $0x2000  }
0x34: {  	[sflag:s23] =	ssyncset.done $0x0  }
0x35: {  	s7 =	simm.s32 $0x1480;
	[sflag:s23] =	ssyncadd.s32 $0xFFFFE000  }
0x36: {  	[spmem:s1] =	stream.indirect.scatter.add.f32 [tilespmem:s17], [sflag:$0x5], $0x40, s7, s15, $0xb8;
	[tilespmem:$0x14600] =	vst v63  }
0x37: {  	_ =	swait.ge [sflag:s13], $0x2000  }
0x38: {  	[sflag:s13] =	ssyncset.done $0x0  }
0x39: {  	s6 =	simm.s32 $0x280;
	[sflag:s13] =	ssyncadd.s32 $0xFFFFE000  }
0x3a: {  	[tilespmem:s17], [sflag:$0x2] =	stream.indirect.gather [hbm4b:s4+s15], $0x40, s6, s15, $0xb8;
	[tilespmem:$0x14600] =	vst v63  }
0x3b: {  	_ =	swait.ge [sflag:s24], $0x2000  }
0x3c: {  	[sflag:s24] =	ssyncset.done $0x0  }
0x3d: {  	s7 =	simm.s32 $0x1500;
	[sflag:s24] =	ssyncadd.s32 $0xFFFFE000  }
0x3e: {  	[spmem:s1] =	stream.indirect.scatter.add.f32 [tilespmem:s19], [sflag:$0x5], $0x40, s7, s15, $0xb8;
	[tilespmem:$0x14600] =	vst v63  }
0x3f: {  	_ =	swait.ge [sflag:s13], $0x2000  }
0x40: {  	[sflag:s13] =	ssyncset.done $0x0  }
0x41: {  	s6 =	simm.s32 $0x300;
	[sflag:s13] =	ssyncadd.s32 $0xFFFFE000  }
0x42: {  	[tilespmem:s19], [sflag:$0x3] =	stream.indirect.gather [hbm4b:s4+s15], $0x40, s6, s15, $0xb8;
	[tilespmem:$0x14600] =	vst v63  }
0x43: {  	_ =	swait.ge [sflag:s25], $0x2000  }
0x44: {  	[sflag:s25] =	ssyncset.done $0x0  }
0x45: {  	s7 =	simm.s32 $0x1580;
	[sflag:s25] =	ssyncadd.s32 $0xFFFFE000  }
0x46: {  	[spmem:s1] =	stream.indirect.scatter.add.f32 [tilespmem:s21], [sflag:$0x5], $0x40, s7, s15, $0xb8;
	[tilespmem:$0x14600] =	vst v63  }
0x47: {  	_ =	swait.ge [sflag:s13], $0x2000  }
0x48: {  	[sflag:s13] =	ssyncset.done $0x0  }
0x49: {  	s5 =	simm.s32 $0x800;
	s6 =	simm.s32 $0x380;
	[sflag:s13] =	ssyncadd.s32 $0xFFFFE000  }
.LBB2_2:
0x4a: {  	[tilespmem:s21], [sflag:$0x4] =	stream.indirect.gather [hbm4b:s4+s15], $0x40, s6, s15, $0xb8;
	[tilespmem:$0x14600] =	vst v63  }
0x4b: {  	s6 =	smov.u32 s5  }
0x4c: {  	p0 =	sne.s32 s5, $0x4000;
	s5 =	sadd.s32 $0x800, s5;
	_ =	swait.ge [sflag:s22], $0x2000  }
0x4d: {  	s6 =	sshra.s32 s6, $0x2;
	[sflag:s22] =	ssyncset.done $0x0  }
0x4e: {  	s7 =	sadd.s32 $0x1400, s6;
	[sflag:s22] =	ssyncadd.s32 $0xFFFFE000  }
0x4f: {  	[spmem:s1] =	stream.indirect.scatter.add.f32 [tilespmem:s16], [sflag:$0x5], $0x40, s7, s15, $0xb8;
	[tilespmem:$0x14600] =	vst v63  }
0x50: {  	_ =	swait.ge [sflag:s13], $0x2000  }
0x51: {  	[sflag:s13] =	ssyncset.done $0x0  }
0x52: {  	s7 =	sadd.s32 $0x200, s6;
	[sflag:s13] =	ssyncadd.s32 $0xFFFFE000  }
0x53: {  	[tilespmem:s16], [sflag:$0x1] =	stream.indirect.gather [hbm4b:s4+s15], $0x40, s7, s15, $0xb8;
	[tilespmem:$0x14600] =	vst v63  }
0x54: {  	_ =	swait.ge [sflag:s23], $0x2000  }
0x55: {  	[sflag:s23] =	ssyncset.done $0x0  }
0x56: {  	s7 =	sadd.s32 $0x1480, s6;
	[sflag:s23] =	ssyncadd.s32 $0xFFFFE000  }
0x57: {  	[spmem:s1] =	stream.indirect.scatter.add.f32 [tilespmem:s17], [sflag:$0x5], $0x40, s7, s15, $0xb8;
	[tilespmem:$0x14600] =	vst v63  }
0x58: {  	_ =	swait.ge [sflag:s13], $0x2000  }
0x59: {  	[sflag:s13] =	ssyncset.done $0x0  }
0x5a: {  	s7 =	sadd.s32 $0x280, s6;
	[sflag:s13] =	ssyncadd.s32 $0xFFFFE000  }
0x5b: {  	[tilespmem:s17], [sflag:$0x2] =	stream.indirect.gather [hbm4b:s4+s15], $0x40, s7, s15, $0xb8;
	[tilespmem:$0x14600] =	vst v63  }
0x5c: {  	_ =	swait.ge [sflag:s24], $0x2000  }
0x5d: {  	[sflag:s24] =	ssyncset.done $0x0  }
0x5e: {  	s7 =	sadd.s32 $0x1500, s6;
	[sflag:s24] =	ssyncadd.s32 $0xFFFFE000  }
0x5f: {  	[spmem:s1] =	stream.indirect.scatter.add.f32 [tilespmem:s19], [sflag:$0x5], $0x40, s7, s15, $0xb8;
	[tilespmem:$0x14600] =	vst v63  }
0x60: {  	_ =	swait.ge [sflag:s13], $0x2000  }
0x61: {  	[sflag:s13] =	ssyncset.done $0x0  }
0x62: {  	s7 =	sadd.s32 $0x300, s6;
	[sflag:s13] =	ssyncadd.s32 $0xFFFFE000  }
0x63: {  	[tilespmem:s19], [sflag:$0x3] =	stream.indirect.gather [hbm4b:s4+s15], $0x40, s7, s15, $0xb8;
	[tilespmem:$0x14600] =	vst v63  }
0x64: {  	_ =	swait.ge [sflag:s25], $0x2000  }
0x65: {  	[sflag:s25] =	ssyncset.done $0x0  }
.Ltmp0:
0x66: {  	s7 =	sadd.s32 $0x1580, s6;
	[sflag:s25] =	ssyncadd.s32 $0xFFFFE000;
	(pc) =	sbr.rel @p0 .LBB2_2-.Ltmp0, $4  }
0x67: {  	[spmem:s1] =	stream.indirect.scatter.add.f32 [tilespmem:s21], [sflag:$0x5], $0x40, s7, s15, $0xb8;
	[tilespmem:$0x14600] =	vst v63  }
0x68: {  	_ =	swait.ge [sflag:s13], $0x2000  }
0x69: {  	[sflag:s13] =	ssyncset.done $0x0  }
0x6a: {  	s6 =	sadd.s32 $0x380, s6;
	[sflag:s13] =	ssyncadd.s32 $0xFFFFE000  }
0x6b: {  	[tilespmem:s21], [sflag:$0x4] =	stream.indirect.gather [hbm4b:s4+s15], $0x40, s6, s15, $0xb8;
	[tilespmem:$0x14600] =	vst v63  }
0x6c: {  	_ =	swait.ge [sflag:s22], $0x2000  }
0x6d: {  	[sflag:s22] =	ssyncset.done $0x0  }
0x6e: {  	[sflag:s22] =	ssyncadd.s32 $0xFFFFE000  }
0x6f: {  	[spmem:s1] =	stream.indirect.scatter.add.f32 [tilespmem:s16], [sflag:$0x5], $0x40, s26, s15, $0xb8;
	[tilespmem:$0x14600] =	vst v63  }
0x70: {  	_ =	swait.ge [sflag:s13], $0x2000  }
0x71: {  	[sflag:s13] =	ssyncset.done $0x0  }
0x72: {  	[sflag:s13] =	ssyncadd.s32 $0xFFFFE000  }
0x73: {  	_ =	swait.ge [sflag:s23], $0x2000  }
0x74: {  	[sflag:s23] =	ssyncset.done $0x0  }
0x75: {  	[sflag:s23] =	ssyncadd.s32 $0xFFFFE000  }
0x76: {  	[spmem:s1] =	stream.indirect.scatter.add.f32 [tilespmem:s17], [sflag:$0x5], $0x40, s28, s15, $0xb8;
	[tilespmem:$0x14600] =	vst v63  }
0x77: {  	_ =	swait.ge [sflag:s13], $0x2000  }
0x78: {  	[sflag:s13] =	ssyncset.done $0x0  }
0x79: {  	[sflag:s13] =	ssyncadd.s32 $0xFFFFE000  }
0x7a: {  	_ =	swait.ge [sflag:s24], $0x2000  }
0x7b: {  	[sflag:s24] =	ssyncset.done $0x0  }
0x7c: {  	[sflag:s24] =	ssyncadd.s32 $0xFFFFE000  }
0x7d: {  	[spmem:s1] =	stream.indirect.scatter.add.f32 [tilespmem:s19], [sflag:$0x5], $0x40, s29, s15, $0xb8;
	[tilespmem:$0x14600] =	vst v63  }
0x7e: {  	_ =	swait.ge [sflag:s13], $0x2000  }
0x7f: {  	[sflag:s13] =	ssyncset.done $0x0  }
0x80: {  	[sflag:s13] =	ssyncadd.s32 $0xFFFFE000  }
0x81: {  	_ =	swait.ge [sflag:s25], $0x2000  }
0x82: {  	[sflag:s25] =	ssyncset.done $0x0  }
0x83: {  	[sflag:s25] =	ssyncadd.s32 $0xFFFFE000  }
0x84: {  	[spmem:s1] =	stream.indirect.scatter.add.f32 [tilespmem:s21], [sflag:$0x5], $0x40, s30, s15, $0xb8;
	[tilespmem:$0x14600] =	vst v63  }
0x85: {  	_ =	swait.ge [sflag:s13], $0x2000  }
0x86: {  	[sflag:s13] =	ssyncset.done $0x0  }
0x87: {  	s5 =	simm.s32 $0x0;
	[sflag:s13] =	ssyncadd.s32 $0xFFFFE000  }
0x88: {  	[tilespmem:s5], [sflag:$0x5] =	stream.linear.gather [hbm4b:s9+s5], $0x1400, $0x38;
	[tilespmem:$0x14600] =	vst v63  }
0x89: {  	_ =	swait.ge [sflag:s13], $0x1400  }
0x8a: {  	[sflag:s13] =	ssyncset.done $0x0  }
0x8b: {  	[sflag:s13] =	ssyncadd.s32 $0xFFFFEC00  }
0x8c: {  	[tilespmem:s14], [sflag:$0x5] =	stream.linear.gather [hbm4b:s10+s5], $0x1400, $0x38;
	[tilespmem:$0x14600] =	vst v63  }
0x8d: {  	_ =	swait.ge [sflag:s13], $0x1400  }
0x8e: {  	[sflag:s13] =	ssyncset.done $0x0  }
0x8f: {  	[sflag:s13] =	ssyncadd.s32 $0xFFFFEC00  }
0x90: {  	[tilespmem:s16], [sflag:$0x1] =	stream.indirect.gather [hbm4b:s4+s15], $0x40, s5, s15, $0xb8;
	[tilespmem:$0x14600] =	vst v63  }
0x91: {  	_ = 	snop  }
0x92: {  	[tilespmem:s17], [sflag:$0x2] =	stream.indirect.gather [hbm4b:s4+s15], $0x40, s15, s15, $0xb8;
	[tilespmem:$0x14600] =	vst v63  }
0x93: {  	_ = 	snop  }
0x94: {  	[tilespmem:s19], [sflag:$0x3] =	stream.indirect.gather [hbm4b:s4+s15], $0x40, s18, s15, $0xb8;
	[tilespmem:$0x14600] =	vst v63  }
0x95: {  	_ = 	snop  }
0x96: {  	[tilespmem:s21], [sflag:$0x4] =	stream.indirect.gather [hbm4b:s4+s15], $0x40, s20, s15, $0xb8;
	[tilespmem:$0x14600] =	vst v63  }
0x97: {  	_ =	swait.ge [sflag:s22], $0x2000  }
0x98: {  	[sflag:s22] =	ssyncset.done $0x0  }
0x99: {  	s7 =	simm.s32 $0x1400;
	[sflag:s22] =	ssyncadd.s32 $0xFFFFE000  }
0x9a: {  	[spmem:s1] =	stream.indirect.scatter.add.f32 [tilespmem:s16], [sflag:$0x5], $0x40, s7, s15, $0xb8;
	[tilespmem:$0x14600] =	vst v63  }
0x9b: {  	_ =	swait.ge [sflag:s13], $0x2000  }
0x9c: {  	[sflag:s13] =	ssyncset.done $0x0  }
0x9d: {  	s6 =	simm.s32 $0x200;
	[sflag:s13] =	ssyncadd.s32 $0xFFFFE000  }
0x9e: {  	[tilespmem:s16], [sflag:$0x1] =	stream.indirect.gather [hbm4b:s4+s15], $0x40, s6, s15, $0xb8;
	[tilespmem:$0x14600] =	vst v63  }
0x9f: {  	_ =	swait.ge [sflag:s23], $0x2000  }
0xa0: {  	[sflag:s23] =	ssyncset.done $0x0  }
0xa1: {  	s7 =	simm.s32 $0x1480;
	[sflag:s23] =	ssyncadd.s32 $0xFFFFE000  }
0xa2: {  	[spmem:s1] =	stream.indirect.scatter.add.f32 [tilespmem:s17], [sflag:$0x5], $0x40, s7, s15, $0xb8;
	[tilespmem:$0x14600] =	vst v63  }
0xa3: {  	_ =	swait.ge [sflag:s13], $0x2000  }
0xa4: {  	[sflag:s13] =	ssyncset.done $0x0  }
0xa5: {  	s6 =	simm.s32 $0x280;
	[sflag:s13] =	ssyncadd.s32 $0xFFFFE000  }
0xa6: {  	[tilespmem:s17], [sflag:$0x2] =	stream.indirect.gather [hbm4b:s4+s15], $0x40, s6, s15, $0xb8;
	[tilespmem:$0x14600] =	vst v63  }
0xa7: {  	_ =	swait.ge [sflag:s24], $0x2000  }
0xa8: {  	[sflag:s24] =	ssyncset.done $0x0  }
0xa9: {  	s7 =	simm.s32 $0x1500;
	[sflag:s24] =	ssyncadd.s32 $0xFFFFE000  }
0xaa: {  	[spmem:s1] =	stream.indirect.scatter.add.f32 [tilespmem:s19], [sflag:$0x5], $0x40, s7, s15, $0xb8;
	[tilespmem:$0x14600] =	vst v63  }
0xab: {  	_ =	swait.ge [sflag:s13], $0x2000  }
0xac: {  	[sflag:s13] =	ssyncset.done $0x0  }
0xad: {  	s6 =	simm.s32 $0x300;
	[sflag:s13] =	ssyncadd.s32 $0xFFFFE000  }
0xae: {  	[tilespmem:s19], [sflag:$0x3] =	stream.indirect.gather [hbm4b:s4+s15], $0x40, s6, s15, $0xb8;
	[tilespmem:$0x14600] =	vst v63  }
0xaf: {  	_ =	swait.ge [sflag:s25], $0x2000  }
0xb0: {  	[sflag:s25] =	ssyncset.done $0x0  }
0xb1: {  	s7 =	simm.s32 $0x1580;
	[sflag:s25] =	ssyncadd.s32 $0xFFFFE000  }
0xb2: {  	[spmem:s1] =	stream.indirect.scatter.add.f32 [tilespmem:s21], [sflag:$0x5], $0x40, s7, s15, $0xb8;
	[tilespmem:$0x14600] =	vst v63  }
0xb3: {  	_ =	swait.ge [sflag:s13], $0x2000  }
0xb4: {  	[sflag:s13] =	ssyncset.done $0x0  }
0xb5: {  	s5 =	simm.s32 $0x800;
	s6 =	simm.s32 $0x380;
	[sflag:s13] =	ssyncadd.s32 $0xFFFFE000  }
.LBB2_4:
0xb6: {  	[tilespmem:s21], [sflag:$0x4] =	stream.indirect.gather [hbm4b:s4+s15], $0x40, s6, s15, $0xb8;
	[tilespmem:$0x14600] =	vst v63  }
0xb7: {  	s6 =	smov.u32 s5  }
0xb8: {  	p0 =	sne.s32 s5, $0x4000;
	s5 =	sadd.s32 $0x800, s5;
	_ =	swait.ge [sflag:s22], $0x2000  }
0xb9: {  	s6 =	sshra.s32 s6, $0x2;
	[sflag:s22] =	ssyncset.done $0x0  }
0xba: {  	s7 =	sadd.s32 $0x1400, s6;
	[sflag:s22] =	ssyncadd.s32 $0xFFFFE000  }
0xbb: {  	[spmem:s1] =	stream.indirect.scatter.add.f32 [tilespmem:s16], [sflag:$0x5], $0x40, s7, s15, $0xb8;
	[tilespmem:$0x14600] =	vst v63  }
0xbc: {  	_ =	swait.ge [sflag:s13], $0x2000  }
0xbd: {  	[sflag:s13] =	ssyncset.done $0x0  }
0xbe: {  	s7 =	sadd.s32 $0x200, s6;
	[sflag:s13] =	ssyncadd.s32 $0xFFFFE000  }
0xbf: {  	[tilespmem:s16], [sflag:$0x1] =	stream.indirect.gather [hbm4b:s4+s15], $0x40, s7, s15, $0xb8;
	[tilespmem:$0x14600] =	vst v63  }
0xc0: {  	_ =	swait.ge [sflag:s23], $0x2000  }
0xc1: {  	[sflag:s23] =	ssyncset.done $0x0  }
0xc2: {  	s7 =	sadd.s32 $0x1480, s6;
	[sflag:s23] =	ssyncadd.s32 $0xFFFFE000  }
0xc3: {  	[spmem:s1] =	stream.indirect.scatter.add.f32 [tilespmem:s17], [sflag:$0x5], $0x40, s7, s15, $0xb8;
	[tilespmem:$0x14600] =	vst v63  }
0xc4: {  	_ =	swait.ge [sflag:s13], $0x2000  }
0xc5: {  	[sflag:s13] =	ssyncset.done $0x0  }
0xc6: {  	s7 =	sadd.s32 $0x280, s6;
	[sflag:s13] =	ssyncadd.s32 $0xFFFFE000  }
0xc7: {  	[tilespmem:s17], [sflag:$0x2] =	stream.indirect.gather [hbm4b:s4+s15], $0x40, s7, s15, $0xb8;
	[tilespmem:$0x14600] =	vst v63  }
0xc8: {  	_ =	swait.ge [sflag:s24], $0x2000  }
0xc9: {  	[sflag:s24] =	ssyncset.done $0x0  }
0xca: {  	s7 =	sadd.s32 $0x1500, s6;
	[sflag:s24] =	ssyncadd.s32 $0xFFFFE000  }
0xcb: {  	[spmem:s1] =	stream.indirect.scatter.add.f32 [tilespmem:s19], [sflag:$0x5], $0x40, s7, s15, $0xb8;
	[tilespmem:$0x14600] =	vst v63  }
0xcc: {  	_ =	swait.ge [sflag:s13], $0x2000  }
0xcd: {  	[sflag:s13] =	ssyncset.done $0x0  }
0xce: {  	s7 =	sadd.s32 $0x300, s6;
	[sflag:s13] =	ssyncadd.s32 $0xFFFFE000  }
0xcf: {  	[tilespmem:s19], [sflag:$0x3] =	stream.indirect.gather [hbm4b:s4+s15], $0x40, s7, s15, $0xb8;
	[tilespmem:$0x14600] =	vst v63  }
0xd0: {  	_ =	swait.ge [sflag:s25], $0x2000  }
0xd1: {  	[sflag:s25] =	ssyncset.done $0x0  }
.Ltmp1:
0xd2: {  	s7 =	sadd.s32 $0x1580, s6;
	[sflag:s25] =	ssyncadd.s32 $0xFFFFE000;
	(pc) =	sbr.rel @p0 .LBB2_4-.Ltmp1, $4  }
0xd3: {  	[spmem:s1] =	stream.indirect.scatter.add.f32 [tilespmem:s21], [sflag:$0x5], $0x40, s7, s15, $0xb8;
	[tilespmem:$0x14600] =	vst v63  }
0xd4: {  	_ =	swait.ge [sflag:s13], $0x2000  }
0xd5: {  	[sflag:s13] =	ssyncset.done $0x0  }
0xd6: {  	s6 =	sadd.s32 $0x380, s6;
	[sflag:s13] =	ssyncadd.s32 $0xFFFFE000  }
0xd7: {  	[tilespmem:s21], [sflag:$0x4] =	stream.indirect.gather [hbm4b:s4+s15], $0x40, s6, s15, $0xb8;
	[tilespmem:$0x14600] =	vst v63  }
0xd8: {  	_ =	swait.ge [sflag:s22], $0x2000  }
0xd9: {  	[sflag:s22] =	ssyncset.done $0x0  }
0xda: {  	[sflag:s22] =	ssyncadd.s32 $0xFFFFE000  }
0xdb: {  	[spmem:s1] =	stream.indirect.scatter.add.f32 [tilespmem:s16], [sflag:$0x5], $0x40, s26, s15, $0xb8;
	[tilespmem:$0x14600] =	vst v63  }
0xdc: {  	_ =	swait.ge [sflag:s13], $0x2000  }
0xdd: {  	[sflag:s13] =	ssyncset.done $0x0  }
0xde: {  	[sflag:s13] =	ssyncadd.s32 $0xFFFFE000  }
0xdf: {  	_ =	swait.ge [sflag:s23], $0x2000  }
0xe0: {  	[sflag:s23] =	ssyncset.done $0x0  }
0xe1: {  	[sflag:s23] =	ssyncadd.s32 $0xFFFFE000  }
0xe2: {  	[spmem:s1] =	stream.indirect.scatter.add.f32 [tilespmem:s17], [sflag:$0x5], $0x40, s28, s15, $0xb8;
	[tilespmem:$0x14600] =	vst v63  }
0xe3: {  	_ =	swait.ge [sflag:s13], $0x2000  }
0xe4: {  	[sflag:s13] =	ssyncset.done $0x0  }
0xe5: {  	[sflag:s13] =	ssyncadd.s32 $0xFFFFE000  }
0xe6: {  	_ =	swait.ge [sflag:s24], $0x2000  }
0xe7: {  	[sflag:s24] =	ssyncset.done $0x0  }
0xe8: {  	[sflag:s24] =	ssyncadd.s32 $0xFFFFE000  }
0xe9: {  	[spmem:s1] =	stream.indirect.scatter.add.f32 [tilespmem:s19], [sflag:$0x5], $0x40, s29, s15, $0xb8;
	[tilespmem:$0x14600] =	vst v63  }
0xea: {  	_ =	swait.ge [sflag:s13], $0x2000  }
0xeb: {  	[sflag:s13] =	ssyncset.done $0x0  }
0xec: {  	[sflag:s13] =	ssyncadd.s32 $0xFFFFE000  }
0xed: {  	_ =	swait.ge [sflag:s25], $0x2000  }
0xee: {  	[sflag:s25] =	ssyncset.done $0x0  }
0xef: {  	[sflag:s25] =	ssyncadd.s32 $0xFFFFE000  }
0xf0: {  	[spmem:s1] =	stream.indirect.scatter.add.f32 [tilespmem:s21], [sflag:$0x5], $0x40, s30, s15, $0xb8;
	[tilespmem:$0x14600] =	vst v63  }
0xf1: {  	_ =	swait.ge [sflag:s13], $0x2000  }
0xf2: {  	s2 =	sadd.s32 $0x1, s2;
	[sflag:s13] =	ssyncset.done $0x0  }
0xf3: {  	s5 =	simm.s32 $0x10;
	p0 =	sne.s32 s2, s12;
	[sflag:s13] =	ssyncadd.s32 $0xFFFFE000  }
.Ltmp2:
0xf4: {  	s7 =	simm.s32 $0x8;
	[bflag:$0x0] =	sbarrier.arrive $0xFFFF;
	(pc) =	sbr.rel @p0 .LBB2_1-.Ltmp2, $4  }
0xf5: {  	[hbm:s11@s5], [sflag:s31] =	dma.strided [spmem:s0@s7], $0x13C0, s22, $0x8   }
0xf6: {  	_ =	swait.ge [sflag:s13], $0x13C0  }
0xf7: {  	[sflag:s13] =	ssyncset.done $0x0  }
0xf8: {  	[sflag:s13] =	ssyncadd.s32 $0xFFFFEC40  }
0xf9: {  	_ =	sfence.sel $0x180000  }
0xfa: {  	[bflag:$0x0] =	sbarrier.arrive $0xFFFF  }
0xfb: {  	_ =	strace $0x9000004A  }
0xfc: {  	s0 =	stileid.u32;
	[bflag:$0x2] =	sbarrier.arrive $0xFFFF  }
0xfd: {  	p0 =	sne.s32 s0, $0x0;
	s0 =	rddreg [dreg:$0x3]  }
0xfe: {  	s0 =	sadd.s32 @!p0 $0x100000, s0  }
0xff: {  	[sflag:s0] =	ssyncadd.tile.s32 @!p0 $0x1;
	_ =	shalt  }
.Lfunc_end2:
_tile_overlayer_lowered:
.L_overlay_start_2:
0x100: {  	(tag) =	ssettag $0x2  }
0x101: {  	s0 =	rddreg [dreg:$0x0];
	s2 =	stileid.u32  }
0x102: {  	s1 =	rddreg [dreg:$0x1];
	p0 =	sne.s32 s2, $0x0  }
0x103: {  	s3 =	rddreg [dreg:$0x2];
	[bflag:$0x3] =	sbarrier.arrive $0xFFFF;
	s2 =	simm.s32 @!p0 $0x1C05  }
0x104: {  	[timem:s3], [sflag:s2] =	dma.local @!p0 [hbm:s0], s1  }
0x105: {  	s0 =	simm.s32 @!p0 $0x5  }
0x106: {  	_ =	swait.ge @!p0 [sflag:s0], s1  }
0x107: {  	s1 =	ssub.s32 @!p0 $0x0, s1;
	[sflag:s0] =	ssyncset.done @!p0 $0x0  }
0x108: {  	[sflag:s0] =	ssyncadd.s32 @!p0 s1  }
0x109: {  	[bflag:$0x3] =	sbarrier.arrive $0xFFFF  }
0x10a: {  	_ =	shalt  }

// kernel: kernel.8.cloned.1.call-start
scs
__scs_entry_jumppad:
0x0: {  	(pc) =	sbr.rel $0x88, $3  }
0x1: {  	(tag) =	ssettag $0x0;
	lr =	simm.s32 $0x1  }
0x2: {  	[smem:$0x3F99] =	sst lr;
	_ =	strace $0xD0000000  }
0x3: {  	_ = 	snop  }
0x4: {  	_ = 	snop  }
0x5: {  	_ = 	snop  }
0x6: {  	_ = 	snop  }
0x7: {  	_ = 	snop  }
__scs_overlays_trampoline_lowered:
0x8: {  	[smem:$0x3FA8] =	sst s0  }
0x9: {  	[smem:$0x3FA9] =	sst s1  }
0xa: {  	[smem:$0x3FAA] =	sst s2  }
0xb: {  	[smem:$0x3FAB] =	sst s3  }
0xc: {  	[smem:$0x3FAC] =	sst s4  }
0xd: {  	[smem:$0x3FAD] =	sst s5  }
0xe: {  	[smem:$0x3FAE] =	sst s6  }
0xf: {  	[smem:$0x3FAF] =	sst s7  }
0x10: {  	[smem:$0x3FB0] =	sst s8  }
0x11: {  	[smem:$0x3FB1] =	sst s9;
	s0 =	simm.s32 @!p0 $0x0  }
0x12: {  	s1 =	sld [smem:$0x3F97];
	s0 =	simm.s32 @p0 $0x1  }
0x13: {  	[smem:$0x3FB2] =	sst s0;
	s0 =	simm.s32 @!p1 $0x0  }
0x14: {  	s2 =	sld [smem:$0x3F96];
	s0 =	simm.s32 @p1 $0x1  }
0x15: {  	[smem:$0x3FB3] =	sst s0;
	s0 =	simm.s32 @!p2 $0x0  }
0x16: {  	s3 =	sld [smem:$0x3FDB];
	s0 =	simm.s32 @p2 $0x1  }
0x17: {  	s4 =	simm.s32 $0x1BF5;
	[smem:$0x3FB5] =	sst s0  }
0x18: {  	s0 =	sld [smem:$0x3F98];
	_ =	swait.ge [sflag:s4], $0x0  }
0x19: {  	s7 =	sld [smem:$0x3F99]  }
0x1a: {  	s8 =	sadd.s32 $0xFFFFE003, lr  }
0x1b: {  	s9 =	sadd.s32 $0xFFFFFEF7, lr;
	s5 =	simm.s32 $0xFFFFFFFF;
	p2 =	slt.u32 s8, $0xFFFFF086  }
0x1c: {  	p1 =	slt.u32 s9, $0xF7A;
	s5 =	simm.s32 @!p2 $0x0  }
0x1d: {  	s5 =	simm.s32 @p1 $0x1;
	p0 =	seq.s32 s7, s2  }
0x1e: {  	s7 =	smul.u32 @!p0 $0xF7A, s2;
	p2 =	seq.s32 @!p0 s5, $0x0  }
0x1f: {  	s9 =	smul.u32 $0xF7A, s1;
	s8 =	simm.s32 @!p0 $0x1BF5;
	p2 =	por !p2, p0  }
0x20: {  	[sflag:s8] =	ssyncset.s32 @!p0 $0xFFFFF086;
	s6 =	sadd.s32 @!p0 s3, s7;
	s7 =	simm.s32 @!p0 $0x108  }
0x21: {  	s3 =	sadd.s32 s3, s9;
	s6 =	sadd.s32 @!p0 $0x88, s6;
	s7 =	simm.s32 @p2 $0x1082  }
0x22: {  	[simem:s7], [sflag:s8] =	dma.local @!p0 [hbm:s6], $0xF7A  }
0x23: {  	s9 =	sor.u32 $0xD0000000, s2;
	s6 =	simm.s32 $0x108;
	_ =	swait.ge @!p0 [sflag:s8], $0x0  }
0x24: {  	s3 =	sadd.s32 $0x88, s3;
	s6 =	simm.s32 @!p1 $0x1082;
	[sflag:s4] =	ssyncset.s32 $0xFFFFF086  }
0x25: {  	[simem:s6], [sflag:s4] =	dma.local [hbm:s3], $0xF7A  }
0x26: {  	[smem:$0x3F99] =	sst s1;
	(tag) =	ssettag s2;
	_ =	strace s9  }
0x27: {  	s1 =	sld [smem:$0x3FA9]  }
0x28: {  	s2 =	sld [smem:$0x3FAA]  }
0x29: {  	s4 =	sld [smem:$0x3FAC]  }
0x2a: {  	p0 =	seq.s32 s5, $0x0;
	s5 =	sld [smem:$0x3FAD]  }
0x2b: {  	s6 =	sld [smem:$0x3FAE]  }
0x2c: {  	s7 =	sld [smem:$0x3FAF]  }
0x2d: {  	s3 =	simm.s32 $0x108;
	s8 =	sld [smem:$0x3FB0]  }
0x2e: {  	s3 =	simm.s32 @!p0 $0x1082;
	s9 =	sld [smem:$0x3FB1]  }
0x2f: {  	lr =	sadd.s32 s0, s3;
	s0 =	sld [smem:$0x3FA8]  }
0x30: {  	s3 =	sld [smem:$0x3FAB]  }
0x31: {  	[smem:$0x3FB4] =	sst s10  }
0x32: {  	s10 =	sld [smem:$0x3FB2];
	_ =	sdelay $0x3  }
0x33: {  	p0 =	seq.s32 s10, $0x1;
	s10 =	sld [smem:$0x3FB4];
	_ =	sdelay $0x3  }
0x34: {  	[smem:$0x3FB4] =	sst s10  }
0x35: {  	s10 =	sld [smem:$0x3FB3];
	_ =	sdelay $0x3  }
0x36: {  	p1 =	seq.s32 s10, $0x1;
	s10 =	sld [smem:$0x3FB4];
	_ =	sdelay $0x3  }
0x37: {  	[smem:$0x3FB4] =	sst s10  }
0x38: {  	s10 =	sld [smem:$0x3FB5]  }
0x39: {  	_ = 	snop;
	(pc) =	sbr.ind lr, $3  }
0x3a: {  	_ = 	snop  }
0x3b: {  	_ = 	snop  }
0x3c: {  	p2 =	seq.s32 s10, $0x1;
	s10 =	sld [smem:$0x3FB4]  }
0x3d: {  	_ =	shalt  }
0x3e: {  	_ =	shalt  }
0x3f: {  	_ =	shalt  }
0x40: {  	_ =	shalt  }
0x41: {  	_ =	shalt  }
0x42: {  	_ =	shalt  }
0x43: {  	_ =	shalt  }
0x44: {  	_ =	shalt  }
0x45: {  	_ =	shalt  }
0x46: {  	_ =	shalt  }
0x47: {  	_ =	shalt  }
0x48: {  	_ =	shalt  }
0x49: {  	_ =	shalt  }
0x4a: {  	_ =	shalt  }
0x4b: {  	_ =	shalt  }
0x4c: {  	_ =	shalt  }
0x4d: {  	_ =	shalt  }
0x4e: {  	_ =	shalt  }
0x4f: {  	_ =	shalt  }
0x50: {  	_ =	shalt  }
0x51: {  	_ =	shalt  }
0x52: {  	_ =	shalt  }
0x53: {  	_ =	shalt  }
0x54: {  	_ =	shalt  }
0x55: {  	_ =	shalt  }
0x56: {  	_ =	shalt  }
0x57: {  	_ =	shalt  }
0x58: {  	_ =	shalt  }
0x59: {  	_ =	shalt  }
0x5a: {  	_ =	shalt  }
0x5b: {  	_ =	shalt  }
0x5c: {  	_ =	shalt  }
0x5d: {  	_ =	shalt  }
0x5e: {  	_ =	shalt  }
0x5f: {  	_ =	shalt  }
0x60: {  	_ =	shalt  }
0x61: {  	_ =	shalt  }
0x62: {  	_ =	shalt  }
0x63: {  	_ =	shalt  }
0x64: {  	_ =	shalt  }
0x65: {  	_ =	shalt  }
0x66: {  	_ =	shalt  }
0x67: {  	_ =	shalt  }
0x68: {  	_ =	shalt  }
0x69: {  	_ =	shalt  }
0x6a: {  	_ =	shalt  }
0x6b: {  	_ =	shalt  }
0x6c: {  	_ =	shalt  }
0x6d: {  	_ =	shalt  }
0x6e: {  	_ =	shalt  }
0x6f: {  	_ =	shalt  }
0x70: {  	_ =	shalt  }
0x71: {  	_ =	shalt  }
0x72: {  	_ =	shalt  }
0x73: {  	_ =	shalt  }
0x74: {  	_ =	shalt  }
0x75: {  	_ =	shalt  }
0x76: {  	_ =	shalt  }
0x77: {  	_ =	shalt  }
0x78: {  	_ =	shalt  }
0x79: {  	_ =	shalt  }
0x7a: {  	_ =	shalt  }
0x7b: {  	_ =	shalt  }
0x7c: {  	_ =	shalt  }
0x7d: {  	_ =	shalt  }
0x7e: {  	_ =	shalt  }
0x7f: {  	_ =	shalt  }
0x80: {  	_ =	shalt  }
0x81: {  	_ =	shalt  }
0x82: {  	_ =	shalt  }
0x83: {  	_ =	shalt  }
0x84: {  	_ =	shalt  }
0x85: {  	_ =	shalt  }
0x86: {  	_ =	shalt  }
0x87: {  	_ =	shalt  }
.Lfunc_end0:
.L_simem_size_0:
called_computation_lowered:
.L_overlay_start_0:
0x88: {  	s2 =	sld [smem:$0x3FD9]  }
0x89: {  	s3 =	sld [smem:$0x3FFE];
	_ =	sdelay $0x1  }
0x8a: {  	s1 =	srdreg.scid  }
0x8b: {  	s0 =	sand.u32 $0x1, s1  }
0x8c: {  	s17 =	sshll.u32 s0, $0xA;
	s2 =	sadd.s32 s3, s2  }
0x8d: {  	s2 =	sadd.s32 s2, s17  }
0x8e: {  	[smem:$0x3FC0] =	sst s2  }
0x8f: {  	_ = 	snop  }
0x90: {  	s2 =	sld [smem:$0x3FC9]  }
0x91: {  	s18 =	sld [smem:$0x3FD0];
	(tm) =	ssettm $0x1  }
0x92: {  	s4 =	sld [smem:$0x3FFB];
	_ =	sdelay $0x3  }
0x93: {  	_ =	strace s4  }
0x94: {  	s4 =	sld [smem:$0x3FFC];
	_ =	sdelay $0x3  }
0x95: {  	_ =	strace s4  }
0x96: {  	s4 =	sld [smem:$0x3FFD];
	_ =	sdelay $0x3  }
0x97: {  	_ =	strace s4  }
0x98: {  	_ =	strace $0x8FFFFFFF  }
0x99: {  	s19 =	sld [smem:$0x3FDB];
	_ =	sdelay $0x1  }
0x9a: {  	s5 =	simm.s32 $_scs_section_size  }
0x9b: {  	s6 =	simm.s32 $_size__tile_overlayer_lowered;
	s7 =	simm.s32 $_tile_overlayer_lowered  }
0x9c: {  	s22 =	simm.s32 $0x1BFF;
	s21 =	sshll.u32 s7, $0x1;
	s4 =	sadd.s32 s5, s19  }
0x9d: {  	s8 =	simm.s32 $0x0;
	s20 =	sshll.u32 s6, $0x1;
	s6 =	sadd.s32 s21, s4  }
0x9e: {  	[timem:s8], [sflag:s22] =	dma.local [hbm:s6], s20  }
0x9f: {  	_ =	swait.ge [sflag:s22], s20  }
0xa0: {  	s5 =	ssub.s32 $0x0, s20;
	[sflag:s22] =	ssyncset.done $0x0  }
0xa1: {  	[sflag:s22] =	ssyncadd.s32 s5;
	_ =	sdelay $0x1  }
0xa2: {  	s23 =	simm.s32 $0x1B8B  }
0xa3: {  	_ =	swait.ge [sflag:s23], $0x1  }
0xa4: {  	[sflag:s23] =	ssyncset.done $0x0  }
0xa5: {  	s25 =	simm.s32 $0x1B8E;
	s24 =	sld [smem:$0x3FFE];
	[sflag:s23] =	ssyncadd.s32 $0xFFFFFFFF  }
0xa6: {  	s26 =	simm.s32 $execute0_lowered;
	[smem:$0x3FD2] =	sst s25  }
0xa7: {  	s6 =	sshll.u32 s26, $0x1;
	_ =	strace $0x80000046;
	[dreg:$0x1] =	wrdreg $0xFFFFFFFF  }
0xa8: {  	s28 =	simm.s32 $_size_execute0_lowered;
	s4 =	sadd.s32 s4, s6;
	[dreg:$0x0] =	wrdreg $0x0  }
0xa9: {  	s6 =	sshll.u32 s28, $0x1;
	[dreg:$0x2] =	wrdreg s4  }
0xaa: {  	[dreg:$0x3] =	wrdreg s6  }
0xab: {  	[dreg:$0x4] =	wrdreg $0xC0  }
0xac: {  	_ =	task [dreg:s8], $0x5FFFF  }
0xad: {  	[dreg:$0x1] =	wrdreg $0xFFFFFFFF  }
0xae: {  	[dreg:$0x0] =	wrdreg $0x60  }
0xaf: {  	[dreg:$0x2] =	wrdreg s2  }
0xb0: {  	[dreg:$0x3] =	wrdreg s24  }
0xb1: {  	[dreg:$0x4] =	wrdreg s18  }
0xb2: {  	[dreg:$0x5] =	wrdreg $0xA8000  }
0xb3: {  	[dreg:$0x6] =	wrdreg $0x1E4800  }
0xb4: {  	[dreg:$0x7] =	wrdreg $0x9  }
0xb5: {  	_ =	task.clear_ibuf [dreg:s8], $0x8FFFF;
	_ =	strace $0x90000046  }
0xb6: {  	s29 =	simm.s32 $0x9;
	_ =	strace $0x80000048  }
0xb7: {  	_ =	swait.ge [sflag:s29], $0x1  }
0xb8: {  	[sflag:s29] =	ssyncadd.s32 $0xFFFFFFFF  }
0xb9: {  	_ =	strace $0x90000048  }
0xba: {  	_ =	sfence  }
0xbb: {  	s30 =	sld [smem:$0x0];
	_ =	sdelay $0x2  }
0xbc: {  	s31 =	sshll.u32 s1, $0xD;
	s1 =	sshrl.u32 s1, $0x2  }
0xbd: {  	s3 =	sand.u32 $0x4000, s31;
	s1 =	sadd.s32 s1, s30  }
0xbe: {  	s0 =	sor.u32 s3, s0;
	s1 =	sshll.u32 s1, $0x11  }
0xbf: {  	s0 =	sor.u32 s1, s0  }
0xc0: {  	s0 =	sadd.s32 $0x8F2B, s0  }
0xc1: {  	[sflag:s0] =	ssyncadd.remote.s32 $0x1  }
0xc2: {  	_ =	sfence.sel $0xFFFF  }
0xc3: {  	[dreg:$0x0] =	wrdreg $0xFFFFFFFF;
	(pc) =	sbr.abs _section_cstart, $3  }
0xc4: {  	[dreg:$0x1] =	wrdreg $0xFFFFFFFF  }
0xc5: {  	_ =	task.clear_ibuf [dreg:s8], $0x2FFFF;
	_ =	strace $0x9FFFFFFF  }
0xc6: {  	(tm) =	ssettm $0x7FFFFFFF  }
0xc7: {  	_ =	shalt  }
tec
execute0_lowered:
.L_overlay_start_1:
0x0: {  	(tag) =	ssettag $0x1  }
0x1: {  	s1 =	rddreg [dreg:$0x0]  }
0x2: {  	s0 =	rddreg [dreg:$0x1]  }
0x3: {  	s13 =	rddreg [dreg:$0x2]  }
0x4: {  	s2 =	rddreg [dreg:$0x3]  }
0x5: {  	s3 =	rddreg [dreg:$0x4];
	s4 =	simm.s32 $0x0;
	s19 =	stileid.u32  }
0x6: {  	s6 =	srdreg.scid;
	s17 =	simm.s32 $0x80;
	s18 =	simm.s32 $0x2800  }
0x7: {  	s21 =	simm.s32 $0x1;
	s22 =	simm.s32 $0x1E400;
	s23 =	simm.s32 $0x3  }
0x8: {  	s28 =	simm.s32 $0x0;
	[smem:$0x7FF] =	sst s4;
	s5 =	smul.u32 $0x2780, s19  }
0x9: {  	s10 =	sadd.s32 $0x1E00, s0;
	s6 =	sand.u32 $0x1, s6;
	s7 =	smul.u32 $0x278, s19  }
0xa: {  	s8 =	sshll.u32 s19, $0x1;
	s11 =	sadd.s32 $0xBE00, s0;
	s24 =	sadd.s32 $0x3D600, s0  }
0xb: {  	s15 =	smul.u32 $0x4F000, s19;
	p0 =	sne.s32 s19, $0x0;
	s31 =	sshll.u32 s19, $0x6  }
0xc: {  	s19 =	simm.s32 $0x6800;
	_ =	strace $0x80000047;
	s12 =	smul.u32 $0x2780, s6  }
0xd: {  	s8 =	sor.u32 s6, s8;
	[dreg:$0x6] =	wrdreg s24;
	s6 =	ssub.s32 $0x2, s6  }
0xe: {  	s20 =	sor.u32 $0x1C04, s31;
	s24 =	simm.s32 $0x2;
	s14 =	smul.u32 $0x500, s8  }
0xf: {  	s9 =	sadd.s32 s5, s0;
	s16 =	sshrl.u32 s6, $0x1;
	s8 =	smul.u32 $0x2800, s8  }
0x10: {  	s25 =	sshrl.u32 s15, $0x2;
	s15 =	simm.s32 $0x4;
	s7 =	sadd.s32 s7, s12  }
0x11: {  	s16 =	ssub.s32 s6, s16;
	s9 =	sadd.s32 $0x15E00, s9;
	s30 =	sshrl.u32 s12, $0x3  }
0x12: {  	s7 =	sshll.u32 s7, $0x4;
	s6 =	sadd.s32 s10, s14;
	s26 =	sshrl.u32 s8, $0x3  }
0x13: {  	s8 =	sadd.s32 s25, s2;
	s13 =	sadd.s32 s13, s30;
	s25 =	simm.s32 $0x2700  }
0x14: {  	s0 =	sadd.s32 s7, s0;
	s7 =	sadd.s32 s11, s14;
	s29 =	sadd.s32 $0x280, s26  }
0x15: {  	s14 =	smax.u32 s16, $0x1;
	s16 =	simm.s32 $0x1400;
	s26 =	simm.s32 $0x2780  }
0x16: {  	v0 =	vimm.f32 $1.000000000e+00;
	s10 =	sadd.s32 s10, s29;
	s11 =	sadd.s32 s11, s29;
	s12 =	sadd.s32 $0x3DC00, s0  }
.LBB2_1:
0x17: {  	[tilespmem:s4], [sflag:$0x4] =	stream.linear.gather [hbm4b:s6+s4], $0x1400, $0x38;
	[tilespmem:$0x1E6F8] =	vst v63  }
0x18: {  	_ =	swait.ge [sflag:s15], $0x1400  }
0x19: {  	[sflag:s15] =	ssyncset.done $0x0  }
0x1a: {  	[sflag:s15] =	ssyncadd.s32 $0xFFFFEC00  }
0x1b: {  	[tilespmem:s16], [sflag:$0x4] =	stream.linear.gather [hbm4b:s7+s4], $0x1400, $0x38;
	[tilespmem:$0x1E6F8] =	vst v63  }
0x1c: {  	_ =	swait.ge [sflag:s15], $0x1400  }
0x1d: {  	[sflag:s15] =	ssyncset.done $0x0  }
0x1e: {  	[sflag:s15] =	ssyncadd.s32 $0xFFFFEC00  }
0x1f: {  	[tilespmem:s18], [sflag:$0x1] =	stream.indirect.gather [hbm4b:s1+s17], $0x80, s4, s17, $0xb8;
	[tilespmem:$0x1E6F8] =	vst v63  }
0x20: {  	s29 =	sshrl.u32 s8, $0x3  }
0x21: {  	[tilespmem:s19], [sflag:$0x2] =	stream.indirect.gather [hbm4b:s1+s17], $0x80, s17, s17, $0xb8;
	[tilespmem:$0x1E6F8] =	vst v63  }
0x22: {  	[spmem:s29], [sflag:s20] =	dma.local [hbm:s9], $0x2780  }
0x23: {  	_ =	swait.ge [sflag:s15], $0x2780  }
0x24: {  	[sflag:s15] =	ssyncset.done $0x0  }
0x25: {  	s30 =	sshrl.u32 @!p0 s3, $0x3;
	s0 =	rddreg [dreg:$0x6];
	[sflag:s15] =	ssyncadd.s32 $0xFFFFD880  }
0x26: {  	[spmem:s30], [sflag:s20] =	dma.local @!p0 [hbm:s0], $0x4F0  }
0x27: {  	s0 =	simm.s32 @!p0 $0x4  }
0x28: {  	_ =	swait.ge @!p0 [sflag:s0], $0x4F0  }
0x29: {  	[sflag:s0] =	ssyncset.done @!p0 $0x0  }
0x2a: {  	[sflag:s0] =	ssyncadd.s32 @!p0 $0xFFFFFB10  }
0x2b: {  	[tilespmem:$0x1E400] =	vst v0  }
0x2c: {  	[tilespmem:$0x1E410] =	vst v0  }
0x2d: {  	[tilespmem:$0x1E420] =	vst v0  }
0x2e: {  	[tilespmem:$0x1E430] =	vst v0  }
0x2f: {  	[tilespmem:$0x1E440] =	vst v0  }
0x30: {  	[tilespmem:$0x1E450] =	vst v0  }
0x31: {  	[tilespmem:$0x1E460] =	vst v0  }
0x32: {  	[tilespmem:$0x1E470] =	vst v0  }
0x33: {  	[bflag:$0x0] =	sbarrier.arrive $0xFFFF  }
0x34: {  	_ =	swait.ge [sflag:s21], $0x4000  }
0x35: {  	[sflag:s21] =	ssyncset.done $0x0  }
0x36: {  	s5 =	simm.s32 $0x1400;
	[sflag:s21] =	ssyncadd.s32 $0xFFFFC000  }
0x37: {  	[spmem:s3] =	stream.indirect.scatter.add.f32 [tilespmem:s22], [sflag:$0x3], $0x1, s5, s17, $0xb8;
	[tilespmem:$0x1E6F8] =	vst v63  }
0x38: {  	_ = 	snop  }
0x39: {  	[spmem:s2] =	stream.indirect.scatter.add.f32 [tilespmem:s18], [sflag:$0x4], $0x80, s5, s17, $0xb8;
	[tilespmem:$0x1E6F8] =	vst v63  }
0x3a: {  	_ =	swait.ge [sflag:s15], $0x4000  }
0x3b: {  	[sflag:s15] =	ssyncset.done $0x0  }
0x3c: {  	[sflag:s15] =	ssyncadd.s32 $0xFFFFC000  }
0x3d: {  	_ =	swait.ge [sflag:s23], $0x80  }
0x3e: {  	[sflag:s23] =	ssyncset.done $0x0  }
0x3f: {  	s5 =	simm.s32 $0x100;
	[sflag:s23] =	ssyncadd.s32 $0xFFFFFF80  }
0x40: {  	[tilespmem:s18], [sflag:$0x1] =	stream.indirect.gather [hbm4b:s1+s17], $0x80, s5, s17, $0xb8;
	[tilespmem:$0x1E6F8] =	vst v63  }
0x41: {  	_ =	swait.ge [sflag:s24], $0x4000  }
0x42: {  	[sflag:s24] =	ssyncset.done $0x0  }
0x43: {  	s5 =	simm.s32 $0x1480;
	[sflag:s24] =	ssyncadd.s32 $0xFFFFC000  }
0x44: {  	[spmem:s3] =	stream.indirect.scatter.add.f32 [tilespmem:s22], [sflag:$0x3], $0x1, s5, s17, $0xb8;
	[tilespmem:$0x1E6F8] =	vst v63  }
0x45: {  	_ = 	snop  }
0x46: {  	[spmem:s2] =	stream.indirect.scatter.add.f32 [tilespmem:s19], [sflag:$0x4], $0x80, s5, s17, $0xb8;
	[tilespmem:$0x1E6F8] =	vst v63  }
0x47: {  	_ =	swait.ge [sflag:s15], $0x4000  }
0x48: {  	[sflag:s15] =	ssyncset.done $0x0  }
0x49: {  	[sflag:s15] =	ssyncadd.s32 $0xFFFFC000  }
0x4a: {  	_ =	swait.ge [sflag:s23], $0x80  }
0x4b: {  	[sflag:s23] =	ssyncset.done $0x0  }
0x4c: {  	s31 =	simm.s32 $0x400;
	s0 =	simm.s32 $0x180;
	[sflag:s23] =	ssyncadd.s32 $0xFFFFFF80  }
.LBB2_2:
0x4d: {  	[tilespmem:s19], [sflag:$0x2] =	stream.indirect.gather [hbm4b:s1+s17], $0x80, s0, s17, $0xb8;
	[tilespmem:$0x1E6F8] =	vst v63  }
0x4e: {  	s0 =	smov.u32 s31  }
0x4f: {  	p1 =	sne.s32 s31, $0x4800;
	s31 =	sadd.s32 $0x400, s31;
	_ =	swait.ge [sflag:s21], $0x4000  }
0x50: {  	s0 =	sshra.s32 s0, $0x2;
	[sflag:s21] =	ssyncset.done $0x0  }
0x51: {  	s5 =	sadd.s32 $0x1400, s0;
	[sflag:s21] =	ssyncadd.s32 $0xFFFFC000  }
0x52: {  	[spmem:s3] =	stream.indirect.scatter.add.f32 [tilespmem:s22], [sflag:$0x3], $0x1, s5, s17, $0xb8;
	[tilespmem:$0x1E6F8] =	vst v63  }
0x53: {  	_ = 	snop  }
0x54: {  	[spmem:s2] =	stream.indirect.scatter.add.f32 [tilespmem:s18], [sflag:$0x4], $0x80, s5, s17, $0xb8;
	[tilespmem:$0x1E6F8] =	vst v63  }
0x55: {  	_ =	swait.ge [sflag:s15], $0x4000  }
0x56: {  	[sflag:s15] =	ssyncset.done $0x0  }
0x57: {  	[sflag:s15] =	ssyncadd.s32 $0xFFFFC000  }
0x58: {  	_ =	swait.ge [sflag:s23], $0x80  }
0x59: {  	[sflag:s23] =	ssyncset.done $0x0  }
0x5a: {  	s5 =	sadd.s32 $0x100, s0;
	[sflag:s23] =	ssyncadd.s32 $0xFFFFFF80  }
0x5b: {  	[tilespmem:s18], [sflag:$0x1] =	stream.indirect.gather [hbm4b:s1+s17], $0x80, s5, s17, $0xb8;
	[tilespmem:$0x1E6F8] =	vst v63  }
0x5c: {  	_ =	swait.ge [sflag:s24], $0x4000  }
0x5d: {  	[sflag:s24] =	ssyncset.done $0x0  }
0x5e: {  	s5 =	sadd.s32 $0x1480, s0;
	[sflag:s24] =	ssyncadd.s32 $0xFFFFC000  }
0x5f: {  	[spmem:s3] =	stream.indirect.scatter.add.f32 [tilespmem:s22], [sflag:$0x3], $0x1, s5, s17, $0xb8;
	[tilespmem:$0x1E6F8] =	vst v63  }
0x60: {  	_ = 	snop  }
0x61: {  	[spmem:s2] =	stream.indirect.scatter.add.f32 [tilespmem:s19], [sflag:$0x4], $0x80, s5, s17, $0xb8;
	[tilespmem:$0x1E6F8] =	vst v63  }
0x62: {  	_ =	swait.ge [sflag:s15], $0x4000  }
.Ltmp0:
0x63: {  	[sflag:s15] =	ssyncset.done $0x0;
	(pc) =	sbr.rel @p1 .LBB2_2-.Ltmp0, $4  }
0x64: {  	[sflag:s15] =	ssyncadd.s32 $0xFFFFC000  }
0x65: {  	_ =	swait.ge [sflag:s23], $0x80  }
0x66: {  	[sflag:s23] =	ssyncset.done $0x0  }
0x67: {  	s0 =	sadd.s32 $0x180, s0;
	[sflag:s23] =	ssyncadd.s32 $0xFFFFFF80  }
0x68: {  	[tilespmem:s19], [sflag:$0x2] =	stream.indirect.gather [hbm4b:s1+s17], $0x80, s0, s17, $0xb8;
	[tilespmem:$0x1E6F8] =	vst v63  }
0x69: {  	_ =	swait.ge [sflag:s21], $0x4000  }
0x6a: {  	[sflag:s21] =	ssyncset.done $0x0  }
0x6b: {  	[sflag:s21] =	ssyncadd.s32 $0xFFFFC000  }
0x6c: {  	[spmem:s3] =	stream.indirect.scatter.add.f32 [tilespmem:s22], [sflag:$0x3], $0x1, s25, s17, $0xb8;
	[tilespmem:$0x1E6F8] =	vst v63  }
0x6d: {  	_ = 	snop  }
0x6e: {  	[spmem:s2] =	stream.indirect.scatter.add.f32 [tilespmem:s18], [sflag:$0x4], $0x80, s25, s17, $0xb8;
	[tilespmem:$0x1E6F8] =	vst v63  }
0x6f: {  	_ =	swait.ge [sflag:s15], $0x4000  }
0x70: {  	[sflag:s15] =	ssyncset.done $0x0  }
0x71: {  	[sflag:s15] =	ssyncadd.s32 $0xFFFFC000  }
0x72: {  	_ =	swait.ge [sflag:s23], $0x80  }
0x73: {  	[sflag:s23] =	ssyncset.done $0x0  }
0x74: {  	[sflag:s23] =	ssyncadd.s32 $0xFFFFFF80  }
0x75: {  	_ =	swait.ge [sflag:s24], $0x4000  }
0x76: {  	[sflag:s24] =	ssyncset.done $0x0  }
0x77: {  	[sflag:s24] =	ssyncadd.s32 $0xFFFFC000  }
0x78: {  	[spmem:s3] =	stream.indirect.scatter.add.f32 [tilespmem:s22], [sflag:$0x3], $0x1, s26, s17, $0xb8;
	[tilespmem:$0x1E6F8] =	vst v63  }
0x79: {  	_ = 	snop  }
0x7a: {  	[spmem:s2] =	stream.indirect.scatter.add.f32 [tilespmem:s19], [sflag:$0x4], $0x80, s26, s17, $0xb8;
	[tilespmem:$0x1E6F8] =	vst v63  }
0x7b: {  	_ =	swait.ge [sflag:s15], $0x4000  }
0x7c: {  	[sflag:s15] =	ssyncset.done $0x0  }
0x7d: {  	[sflag:s15] =	ssyncadd.s32 $0xFFFFC000  }
0x7e: {  	_ =	swait.ge [sflag:s23], $0x80  }
0x7f: {  	[sflag:s23] =	ssyncset.done $0x0  }
0x80: {  	s5 =	simm.s32 $0x0;
	[sflag:s23] =	ssyncadd.s32 $0xFFFFFF80  }
0x81: {  	[tilespmem:s5], [sflag:$0x4] =	stream.linear.gather [hbm4b:s10+s5], $0x1400, $0x38;
	[tilespmem:$0x1E6F8] =	vst v63  }
0x82: {  	_ =	swait.ge [sflag:s15], $0x1400  }
0x83: {  	[sflag:s15] =	ssyncset.done $0x0  }
0x84: {  	[sflag:s15] =	ssyncadd.s32 $0xFFFFEC00  }
0x85: {  	[tilespmem:s16], [sflag:$0x4] =	stream.linear.gather [hbm4b:s11+s5], $0x1400, $0x38;
	[tilespmem:$0x1E6F8] =	vst v63  }
0x86: {  	_ =	swait.ge [sflag:s15], $0x1400  }
0x87: {  	[sflag:s15] =	ssyncset.done $0x0  }
0x88: {  	[sflag:s15] =	ssyncadd.s32 $0xFFFFEC00  }
0x89: {  	[tilespmem:s18], [sflag:$0x1] =	stream.indirect.gather [hbm4b:s1+s17], $0x80, s5, s17, $0xb8;
	[tilespmem:$0x1E6F8] =	vst v63  }
0x8a: {  	_ = 	snop  }
0x8b: {  	[tilespmem:s19], [sflag:$0x2] =	stream.indirect.gather [hbm4b:s1+s17], $0x80, s17, s17, $0xb8;
	[tilespmem:$0x1E6F8] =	vst v63  }
0x8c: {  	_ =	swait.ge [sflag:s21], $0x4000  }
0x8d: {  	[sflag:s21] =	ssyncset.done $0x0  }
0x8e: {  	s5 =	simm.s32 $0x1400;
	[sflag:s21] =	ssyncadd.s32 $0xFFFFC000  }
0x8f: {  	[spmem:s3] =	stream.indirect.scatter.add.f32 [tilespmem:s22], [sflag:$0x3], $0x1, s5, s17, $0xb8;
	[tilespmem:$0x1E6F8] =	vst v63  }
0x90: {  	_ = 	snop  }
0x91: {  	[spmem:s2] =	stream.indirect.scatter.add.f32 [tilespmem:s18], [sflag:$0x4], $0x80, s5, s17, $0xb8;
	[tilespmem:$0x1E6F8] =	vst v63  }
0x92: {  	_ =	swait.ge [sflag:s15], $0x4000  }
0x93: {  	[sflag:s15] =	ssyncset.done $0x0  }
0x94: {  	[sflag:s15] =	ssyncadd.s32 $0xFFFFC000  }
0x95: {  	_ =	swait.ge [sflag:s23], $0x80  }
0x96: {  	[sflag:s23] =	ssyncset.done $0x0  }
0x97: {  	s5 =	simm.s32 $0x100;
	[sflag:s23] =	ssyncadd.s32 $0xFFFFFF80  }
0x98: {  	[tilespmem:s18], [sflag:$0x1] =	stream.indirect.gather [hbm4b:s1+s17], $0x80, s5, s17, $0xb8;
	[tilespmem:$0x1E6F8] =	vst v63  }
0x99: {  	_ =	swait.ge [sflag:s24], $0x4000  }
0x9a: {  	[sflag:s24] =	ssyncset.done $0x0  }
0x9b: {  	s5 =	simm.s32 $0x1480;
	[sflag:s24] =	ssyncadd.s32 $0xFFFFC000  }
0x9c: {  	[spmem:s3] =	stream.indirect.scatter.add.f32 [tilespmem:s22], [sflag:$0x3], $0x1, s5, s17, $0xb8;
	[tilespmem:$0x1E6F8] =	vst v63  }
0x9d: {  	_ = 	snop  }
0x9e: {  	[spmem:s2] =	stream.indirect.scatter.add.f32 [tilespmem:s19], [sflag:$0x4], $0x80, s5, s17, $0xb8;
	[tilespmem:$0x1E6F8] =	vst v63  }
0x9f: {  	_ =	swait.ge [sflag:s15], $0x4000  }
0xa0: {  	[sflag:s15] =	ssyncset.done $0x0  }
0xa1: {  	[sflag:s15] =	ssyncadd.s32 $0xFFFFC000  }
0xa2: {  	_ =	swait.ge [sflag:s23], $0x80  }
0xa3: {  	[sflag:s23] =	ssyncset.done $0x0  }
0xa4: {  	s31 =	simm.s32 $0x400;
	s0 =	simm.s32 $0x180;
	[sflag:s23] =	ssyncadd.s32 $0xFFFFFF80  }
.LBB2_4:
0xa5: {  	[tilespmem:s19], [sflag:$0x2] =	stream.indirect.gather [hbm4b:s1+s17], $0x80, s0, s17, $0xb8;
	[tilespmem:$0x1E6F8] =	vst v63  }
0xa6: {  	s0 =	smov.u32 s31  }
0xa7: {  	p1 =	sne.s32 s31, $0x4800;
	s31 =	sadd.s32 $0x400, s31;
	_ =	swait.ge [sflag:s21], $0x4000  }
0xa8: {  	s0 =	sshra.s32 s0, $0x2;
	[sflag:s21] =	ssyncset.done $0x0  }
0xa9: {  	s5 =	sadd.s32 $0x1400, s0;
	[sflag:s21] =	ssyncadd.s32 $0xFFFFC000  }
0xaa: {  	[spmem:s3] =	stream.indirect.scatter.add.f32 [tilespmem:s22], [sflag:$0x3], $0x1, s5, s17, $0xb8;
	[tilespmem:$0x1E6F8] =	vst v63  }
0xab: {  	_ = 	snop  }
0xac: {  	[spmem:s2] =	stream.indirect.scatter.add.f32 [tilespmem:s18], [sflag:$0x4], $0x80, s5, s17, $0xb8;
	[tilespmem:$0x1E6F8] =	vst v63  }
0xad: {  	_ =	swait.ge [sflag:s15], $0x4000  }
0xae: {  	[sflag:s15] =	ssyncset.done $0x0  }
0xaf: {  	[sflag:s15] =	ssyncadd.s32 $0xFFFFC000  }
0xb0: {  	_ =	swait.ge [sflag:s23], $0x80  }
0xb1: {  	[sflag:s23] =	ssyncset.done $0x0  }
0xb2: {  	s5 =	sadd.s32 $0x100, s0;
	[sflag:s23] =	ssyncadd.s32 $0xFFFFFF80  }
0xb3: {  	[tilespmem:s18], [sflag:$0x1] =	stream.indirect.gather [hbm4b:s1+s17], $0x80, s5, s17, $0xb8;
	[tilespmem:$0x1E6F8] =	vst v63  }
0xb4: {  	_ =	swait.ge [sflag:s24], $0x4000  }
0xb5: {  	[sflag:s24] =	ssyncset.done $0x0  }
0xb6: {  	s5 =	sadd.s32 $0x1480, s0;
	[sflag:s24] =	ssyncadd.s32 $0xFFFFC000  }
0xb7: {  	[spmem:s3] =	stream.indirect.scatter.add.f32 [tilespmem:s22], [sflag:$0x3], $0x1, s5, s17, $0xb8;
	[tilespmem:$0x1E6F8] =	vst v63  }
0xb8: {  	_ = 	snop  }
0xb9: {  	[spmem:s2] =	stream.indirect.scatter.add.f32 [tilespmem:s19], [sflag:$0x4], $0x80, s5, s17, $0xb8;
	[tilespmem:$0x1E6F8] =	vst v63  }
0xba: {  	_ =	swait.ge [sflag:s15], $0x4000  }
.Ltmp1:
0xbb: {  	[sflag:s15] =	ssyncset.done $0x0;
	(pc) =	sbr.rel @p1 .LBB2_4-.Ltmp1, $4  }
0xbc: {  	[sflag:s15] =	ssyncadd.s32 $0xFFFFC000  }
0xbd: {  	_ =	swait.ge [sflag:s23], $0x80  }
0xbe: {  	[sflag:s23] =	ssyncset.done $0x0  }
0xbf: {  	s0 =	sadd.s32 $0x180, s0;
	[sflag:s23] =	ssyncadd.s32 $0xFFFFFF80  }
0xc0: {  	[tilespmem:s19], [sflag:$0x2] =	stream.indirect.gather [hbm4b:s1+s17], $0x80, s0, s17, $0xb8;
	[tilespmem:$0x1E6F8] =	vst v63  }
0xc1: {  	_ =	swait.ge [sflag:s21], $0x4000  }
0xc2: {  	[sflag:s21] =	ssyncset.done $0x0  }
0xc3: {  	[sflag:s21] =	ssyncadd.s32 $0xFFFFC000  }
0xc4: {  	[spmem:s3] =	stream.indirect.scatter.add.f32 [tilespmem:s22], [sflag:$0x3], $0x1, s25, s17, $0xb8;
	[tilespmem:$0x1E6F8] =	vst v63  }
0xc5: {  	_ = 	snop  }
0xc6: {  	[spmem:s2] =	stream.indirect.scatter.add.f32 [tilespmem:s18], [sflag:$0x4], $0x80, s25, s17, $0xb8;
	[tilespmem:$0x1E6F8] =	vst v63  }
0xc7: {  	_ =	swait.ge [sflag:s15], $0x4000  }
0xc8: {  	[sflag:s15] =	ssyncset.done $0x0  }
0xc9: {  	[sflag:s15] =	ssyncadd.s32 $0xFFFFC000  }
0xca: {  	_ =	swait.ge [sflag:s23], $0x80  }
0xcb: {  	[sflag:s23] =	ssyncset.done $0x0  }
0xcc: {  	[sflag:s23] =	ssyncadd.s32 $0xFFFFFF80  }
0xcd: {  	_ =	swait.ge [sflag:s24], $0x4000  }
0xce: {  	[sflag:s24] =	ssyncset.done $0x0  }
0xcf: {  	[sflag:s24] =	ssyncadd.s32 $0xFFFFC000  }
0xd0: {  	[spmem:s3] =	stream.indirect.scatter.add.f32 [tilespmem:s22], [sflag:$0x3], $0x1, s26, s17, $0xb8;
	[tilespmem:$0x1E6F8] =	vst v63  }
0xd1: {  	_ = 	snop  }
0xd2: {  	[spmem:s2] =	stream.indirect.scatter.add.f32 [tilespmem:s19], [sflag:$0x4], $0x80, s26, s17, $0xb8;
	[tilespmem:$0x1E6F8] =	vst v63  }
0xd3: {  	_ =	swait.ge [sflag:s15], $0x4000  }
0xd4: {  	[sflag:s15] =	ssyncset.done $0x0  }
0xd5: {  	[sflag:s15] =	ssyncadd.s32 $0xFFFFC000  }
0xd6: {  	_ =	swait.ge [sflag:s23], $0x80  }
0xd7: {  	[sflag:s23] =	ssyncset.done $0x0  }
0xd8: {  	[sflag:s23] =	ssyncadd.s32 $0xFFFFFF80  }
0xd9: {  	[bflag:$0x0] =	sbarrier.arrive $0xFFFF  }
0xda: {  	[hbm:s12], [sflag:s20] =	dma.local [spmem:s29], $0x2780  }
0xdb: {  	s28 =	sadd.s32 $0x1, s28;
	_ =	swait.ge [sflag:s15], $0x2780  }
0xdc: {  	p1 =	sne.s32 s28, s14;
	[sflag:s15] =	ssyncset.done $0x0  }
.Ltmp2:
0xdd: {  	s0 =	simm.s32 @!p0 $0x4;
	[sflag:s15] =	ssyncadd.s32 $0xFFFFD880;
	(pc) =	sbr.rel @p1 .LBB2_1-.Ltmp2, $4  }
0xde: {  	[hbm:s13], [sflag:s20] =	dma.local @!p0 [spmem:s30], $0x4F0  }
0xdf: {  	_ =	swait.ge @!p0 [sflag:s0], $0x4F0  }
0xe0: {  	[sflag:s0] =	ssyncset.done @!p0 $0x0  }
0xe1: {  	[sflag:s0] =	ssyncadd.s32 @!p0 $0xFFFFFB10  }
0xe2: {  	_ =	sfence.sel $0x180000  }
0xe3: {  	[bflag:$0x0] =	sbarrier.arrive $0xFFFF  }
0xe4: {  	_ =	strace $0x90000047  }
0xe5: {  	[bflag:$0x2] =	sbarrier.arrive $0xFFFF  }
0xe6: {  	s0 =	rddreg [dreg:$0x5]  }
0xe7: {  	s0 =	sadd.s32 @!p0 $0x100000, s0  }
0xe8: {  	[sflag:s0] =	ssyncadd.tile.s32 @!p0 $0x1;
	_ =	shalt  }
.Lfunc_end2:
_tile_overlayer_lowered:
.L_overlay_start_2:
0xe9: {  	(tag) =	ssettag $0x2  }
0xea: {  	s0 =	rddreg [dreg:$0x0];
	s2 =	stileid.u32  }
0xeb: {  	s1 =	rddreg [dreg:$0x1];
	p0 =	sne.s32 s2, $0x0  }
0xec: {  	s3 =	rddreg [dreg:$0x2];
	[bflag:$0x3] =	sbarrier.arrive $0xFFFF;
	s2 =	simm.s32 @!p0 $0x1C04  }
0xed: {  	[timem:s3], [sflag:s2] =	dma.local @!p0 [hbm:s0], s1  }
0xee: {  	s0 =	simm.s32 @!p0 $0x4  }
0xef: {  	_ =	swait.ge @!p0 [sflag:s0], s1  }
0xf0: {  	s1 =	ssub.s32 @!p0 $0x0, s1;
	[sflag:s0] =	ssyncset.done @!p0 $0x0  }
0xf1: {  	[sflag:s0] =	ssyncadd.s32 @!p0 s1  }
0xf2: {  	[bflag:$0x3] =	sbarrier.arrive $0xFFFF  }
0xf3: {  	_ =	shalt  }

</sc_bundles>
